<compile_context>
chip_gen: v7x
topology: tpu7x:2x2x1
jax: 0.10.2.dev20260603
libtpu: 0.0.44.dev20260713+nightly
codegen_flags: <defaults>
</compile_context>

<pallas_src>
import functools
import jax
import jax.numpy as jnp
from jax import lax
from jax.experimental import pallas as pl
from jax.experimental.pallas import tpu as pltpu
from jax.experimental.pallas import tpu_sc as plsc

_NC, _NS = 2, 16
_NW = _NC * _NS
_K = 16
_CHUNK = 64
_BN = 5120
_G = 32
_C = 128


def _eye(n):
    ii = lax.broadcasted_iota(jnp.int32, (n, n), 0)
    jj = lax.broadcasted_iota(jnp.int32, (n, n), 1)
    return (ii == jj).astype(jnp.float32)


def _prep_body(xt_ref, w0_ref, b0_ref, uv_ref):
    xtb = xt_ref[...]
    w0 = w0_ref[...]
    wa = w0[:, :_C] - w0[:, _C:]
    wb = w0[:, _C:]
    ut = lax.dot_general(
        xtb, wa, (((1,), (1,)), ((), ())),
        preferred_element_type=jnp.float32) + b0_ref[...]
    vt = lax.dot_general(
        xtb, wb, (((1,), (1,)), ((), ())),
        preferred_element_type=jnp.float32)
    uv_ref[...] = jnp.concatenate([ut, vt], axis=1)


def _fin_body(xt_ref, rt_ref, w1_ref, b1_ref, out_ref):
    xtb = xt_ref[...]
    rt = rt_ref[...]
    x_cm = lax.dot_general(_eye(_C), xtb, (((1,), (1,)), ((), ())),
                           preferred_element_type=jnp.float32)
    r = lax.dot_general(_eye(_G), rt, (((1,), (1,)), ((), ())),
                        preferred_element_type=jnp.float32)
    o3 = (lax.dot_general(w1_ref[:, :_C], xtb, (((1,), (1,)), ((), ())),
                          preferred_element_type=jnp.float32)
          + lax.dot_general(w1_ref[:, _C:], rt, (((1,), (1,)), ((), ())),
                            preferred_element_type=jnp.float32)
          + b1_ref[...])
    out_ref[0] = jnp.concatenate([x_cm, r, o3], axis=0)


def _sc_edge_mean(n_pad):
    nodes_per_w = n_pad // _NW
    n_chunks = nodes_per_w // _CHUNK
    stage = n_pad // _NS
    mesh = plsc.VectorSubcoreMesh(core_axis_name="c", subcore_axis_name="s")

    @functools.partial(
        pl.kernel,
        mesh=mesh,
        compiler_params=pltpu.CompilerParams(use_tc_tiling_on_sc=False),
        out_type=jax.ShapeDtypeStruct((n_pad, _G), jnp.float32),
        scratch_types=[
            pltpu.VMEM_SHARED((n_pad, _G), jnp.float32),
            pltpu.VMEM((_K, nodes_per_w), jnp.int32),
            pltpu.VMEM((2 * _CHUNK * _K, _G), jnp.float32),
            pltpu.VMEM((nodes_per_w, 2 * _G), jnp.float32),
            pltpu.VMEM((nodes_per_w, _G), jnp.float32),
            pltpu.SemaphoreType.DMA,
            pltpu.SemaphoreType.DMA,
        ],
    )
    def sc_kernel(uv_hbm, idx_hbm, out_hbm,
                  vt_sp, idx_v, rows_v, u_v, o_v, gsem, usem):
        sid = lax.axis_index("s")
        wid = sid * _NC + lax.axis_index("c")
        base = pl.multiple_of(wid * nodes_per_w, nodes_per_w)

        srow = pl.multiple_of(sid * stage, 8)
        pltpu.sync_copy(uv_hbm.at[pl.ds(srow, stage), pl.ds(_G, _G)],
                        vt_sp.at[pl.ds(srow, stage)])
        ucopy = pltpu.async_copy(uv_hbm.at[pl.ds(base, nodes_per_w)], u_v, usem)
        pltpu.sync_copy(idx_hbm.at[:, pl.ds(base, nodes_per_w)], idx_v)
        plsc.subcore_barrier()

        def fire(c, boff):
            cn = pl.multiple_of(c * _CHUNK, _CHUNK)
            for k in range(_K):
                pltpu.async_copy(
                    vt_sp.at[idx_v.at[k].at[pl.ds(cn, _CHUNK)]],
                    rows_v.at[pl.ds(boff + k * _CHUNK, _CHUNK)],
                    gsem)

        def drain(boff):
            pltpu.make_async_copy(
                uv_hbm.at[pl.ds(0, _CHUNK * _K), pl.ds(0, _G)],
                rows_v.at[pl.ds(boff, _CHUNK * _K)],
                gsem).wait()

        fire(0, 0)
        ucopy.wait()

        def chunk_body(c, carry):
            boff = pl.multiple_of(lax.rem(c, 2) * (_CHUNK * _K), _CHUNK * _K)
            nboff = pl.multiple_of(
                lax.rem(c + 1, 2) * (_CHUNK * _K), _CHUNK * _K)
            drain(boff)

            @pl.when(c + 1 < n_chunks)
            def _():
                fire(c + 1, nboff)

            def node_body(j, carry2):
                cj = c * _CHUNK + j
                u0 = u_v[cj, pl.ds(0, 16)]
                u1 = u_v[cj, pl.ds(16, 16)]
                s0 = jnp.zeros((16,), jnp.float32)
                s1 = jnp.zeros((16,), jnp.float32)
                for k in range(_K):
                    r0 = rows_v[boff + k * _CHUNK + j, pl.ds(0, 16)]
                    r1 = rows_v[boff + k * _CHUNK + j, pl.ds(16, 16)]
                    s0 = s0 + jnp.maximum(u0 + r0, 0.0)
                    s1 = s1 + jnp.maximum(u1 + r1, 0.0)
                o_v[cj, pl.ds(0, 16)] = s0 * (1.0 / _K)
                o_v[cj, pl.ds(16, 16)] = s1 * (1.0 / _K)
                return 0

            lax.fori_loop(0, _CHUNK, node_body, 0)
            return 0

        lax.fori_loop(0, n_chunks, chunk_body, 0)
        pltpu.sync_copy(o_v, out_hbm.at[pl.ds(base, nodes_per_w)])

    return sc_kernel


def kernel(x, idx, W0, b0, W1, b1):
    _, C, N = x.shape
    n_pad = ((N + _NW * _CHUNK - 1) // (_NW * _CHUNK)) * (_NW * _CHUNK)

    xt = jnp.swapaxes(x, 1, 2)[0]
    idxt = jnp.pad(jnp.swapaxes(idx, 1, 2)[0].astype(jnp.int32),
                   ((0, 0), (0, n_pad - N)))

    grid = (n_pad // _BN,)

    uv = pl.pallas_call(
        _prep_body,
        grid=grid,
        in_specs=[
            pl.BlockSpec((_BN, C), lambda i: (i, 0)),
            pl.BlockSpec((_G, 2 * C), lambda i: (0, 0)),
            pl.BlockSpec((1, _G), lambda i: (0, 0)),
        ],
        out_specs=pl.BlockSpec((_BN, 2 * _G), lambda i: (i, 0)),
        out_shape=jax.ShapeDtypeStruct((n_pad, 2 * _G), jnp.float32),
    )(xt, W0, b0[None, :])

    rt = _sc_edge_mean(n_pad)(uv, idxt)

    out = pl.pallas_call(
        _fin_body,
        grid=grid,
        in_specs=[
            pl.BlockSpec((_BN, C), lambda i: (i, 0)),
            pl.BlockSpec((_BN, _G), lambda i: (i, 0)),
            pl.BlockSpec((_G, C + _G), lambda i: (0, 0)),
            pl.BlockSpec((_G, 1), lambda i: (0, 0)),
        ],
        out_specs=pl.BlockSpec((1, C + 2 * _G, _BN), lambda i: (0, 0, i)),
        out_shape=jax.ShapeDtypeStruct((1, C + 2 * _G, N), jnp.float32),
    )(xt, rt, W1, b1[:, None])

    return out

# --- scband reference (transcript-rebuilt; emitter-appended) ---
"""Pipeline reference for scband-dense-edge-conv-51943334477852 (READ-ONLY COPY).

The authoritative reference and input builder live on the scoring server;
editing this copy changes nothing except your own understanding.
"""

import jax, jax.numpy as jnp
import numpy as np

B = 1
N = 10000
IN_CHANNELS = 128
GROWTH = 32
K = 16

def _conv1x1(y, W, b):
    # torch.nn.Conv2d with kernel 1 over (B, C, N, k) layout
    return jnp.einsum('bcnk,oc->bonk', y, W) + b[None, :, None, None]

def _forward(x, idx, W0, b0, W1, b1):
    # get_local_graph with precomputed idx: gather kNN features
    # x: (B, C, N), idx: (B, N, k) -> knn_point: (B, C, N, k)
    knn_point = jax.vmap(lambda xb, ib: xb[:, ib])(x, idx)
    neighbor_center = jnp.broadcast_to(x[..., None], knn_point.shape)
    edge_feature = jnp.concatenate([neighbor_center, knn_point - neighbor_center], axis=1)  # (B, 2C, N, k)
    # layer 0: y = cat([x, relu(mlp0(edge_feature))], dim=1) with x broadcast over k
    y = jax.nn.relu(_conv1x1(edge_feature, W0, b0))
    y = jnp.concatenate([neighbor_center, y], axis=1)  # (B, C+g, N, k)
    # layer n-1 (n=2): y = cat([y, mlp1(y)], dim=1), no relu
    y = jnp.concatenate([y, _conv1x1(y, W1, b1)], axis=1)  # (B, C+2g, N, k)
    return jnp.mean(y, axis=-1)  # (B, C+2g, N)

def setup_inputs(seed: int = 0):
    key = jax.random.key(seed)
    ks = jax.random.split(key, 6)
    x = jax.random.normal(ks[0], (B, IN_CHANNELS, N), dtype=jnp.float32)
    idx = jax.random.randint(ks[1], (B, N, K), 0, N)
    s0 = 1.0 / np.sqrt(2 * IN_CHANNELS)
    W0 = jax.random.uniform(ks[2], (GROWTH, 2 * IN_CHANNELS), jnp.float32, -s0, s0)
    b0 = jax.random.uniform(ks[3], (GROWTH,), jnp.float32, -s0, s0)
    c1 = IN_CHANNELS + GROWTH
    s1 = 1.0 / np.sqrt(c1)
    W1 = jax.random.uniform(ks[4], (GROWTH, c1), jnp.float32, -s1, s1)
    b1 = jax.random.uniform(ks[5], (GROWTH,), jnp.float32, -s1, s1)
    return {"x": x, "idx": idx, "W0": W0, "b0": b0, "W1": W1, "b1": b1}

def reference(x, idx, W0, b0, W1, b1):
    return _forward(x, idx, W0, b0, W1, b1)

if __name__ == "__main__":
    import jax
    _d = setup_inputs()
    print(jax.jit(kernel)(*tuple(_d.values())))

</pallas_src>

<mosaic_0001>
#map = affine_map<(d0, d1) -> (0, 0)>
module attributes {stable_mosaic.version = 14 : i64} {
  func.func @sc_kernel(%arg0: i32, %arg1: i32, %arg2: memref<10240x64xf32, #tpu.memory_space<hbm>>, %arg3: memref<16x10240xi32, #tpu.memory_space<hbm>>, %arg4: memref<10240x32xf32, #tpu.memory_space<hbm>>, %arg5: memref<10240x32xf32, #tpu.memory_space<vmem_shared>>, %arg6: memref<16x320xi32, #tpu.memory_space<vmem>>, %arg7: memref<2048x32xf32, #tpu.memory_space<vmem>>, %arg8: memref<320x64xf32, #tpu.memory_space<vmem>>, %arg9: memref<320x32xf32, #tpu.memory_space<vmem>>, %arg10: memref<!tpu.dma_semaphore, #tpu.memory_space<semaphore_mem>>, %arg11: memref<!tpu.dma_semaphore, #tpu.memory_space<semaphore_mem>>) attributes {dimension_semantics = [#tpu.dimension_semantics<core_parallel>, #tpu.dimension_semantics<subcore_parallel>], iteration_bounds = array<i64: 2, 16>, scalar_prefetch = 0 : i64, scratch_operands = 7 : i64, tpu.core_type = #tpu.core_type<sc_vector_subcore>, window_params = [{transform_indices = #map}, {transform_indices = #map}, {transform_indices = #map}]} {
    %mul3A = arith.constant 2 : i32
    %mul3A_0 = arith.muli %arg1, %mul3A : i32
    %add3A = arith.addi %mul3A_0, %arg0 : i32
    %mul3A_1 = arith.constant 320 : i32
    %mul3A_2 = arith.muli %add3A, %mul3A_1 : i32
    %multiple_of3A = tpu.assume_multiple %mul3A_2, 320 : i32
    %mul3A_3 = arith.constant 640 : i32
    %mul3A_4 = arith.muli %arg1, %mul3A_3 : i32
    %multiple_of3A_5 = tpu.assume_multiple %mul3A_4, 8 : i32
    "tpu.region"() ({
      %run_scoped3A = tpu.sem_alloc : memref<!tpu.dma_semaphore, #tpu.memory_space<semaphore_mem>>
      %dma_start3A_196 = arith.constant 0 : i32
      %dma_start3A_197 = tpu.memref_slice %arg5[%multiple_of3A_5, %dma_start3A_196] : memref<10240x32xf32, #tpu.memory_space<vmem_shared>> -> memref<640x32xf32, #tpu.memory_space<vmem_shared>>
      %dma_start3A_198 = arith.constant 32 : i32
      %dma_start3A_199 = tpu.memref_slice %arg2[%multiple_of3A_5, %dma_start3A_198] : memref<10240x64xf32, #tpu.memory_space<hbm>> -> memref<640x32xf32, #tpu.memory_space<hbm>>
      tpu.enqueue_dma source(%dma_start3A_199 : memref<640x32xf32, #tpu.memory_space<hbm>>) target(%dma_start3A_197 : memref<640x32xf32, #tpu.memory_space<vmem_shared>>) target_semaphore(%run_scoped3A : memref<!tpu.dma_semaphore, #tpu.memory_space<semaphore_mem>>)
      %dma_wait3A_200 = arith.constant 0 : i32
      %dma_wait3A_201 = tpu.memref_slice %arg5[%multiple_of3A_5, %dma_wait3A_200] : memref<10240x32xf32, #tpu.memory_space<vmem_shared>> -> memref<640x32xf32, #tpu.memory_space<vmem_shared>>
      %dma_wait3A_202 = arith.constant 32 : i32
      %dma_wait3A_203 = tpu.memref_slice %arg2[%multiple_of3A_5, %dma_wait3A_202] : memref<10240x64xf32, #tpu.memory_space<hbm>> -> memref<640x32xf32, #tpu.memory_space<hbm>>
      tpu.wait_dma2 semaphore(%run_scoped3A : memref<!tpu.dma_semaphore, #tpu.memory_space<semaphore_mem>>) src(%dma_wait3A_203 : memref<640x32xf32, #tpu.memory_space<hbm>>) dst(%dma_wait3A_201 : memref<640x32xf32, #tpu.memory_space<vmem_shared>>)
      tpu.yield
    }) : () -> ()
    %dma_start3A = arith.constant 0 : i32
    %dma_start3A_6 = tpu.memref_slice %arg2[%multiple_of3A, %dma_start3A] : memref<10240x64xf32, #tpu.memory_space<hbm>> -> memref<320x64xf32, #tpu.memory_space<hbm>>
    %dma_start3A_7 = arith.constant 0 : i32
    %dma_start3A_8 = tpu.memref_slice %arg2[%multiple_of3A, %dma_start3A_7] : memref<10240x64xf32, #tpu.memory_space<hbm>> -> memref<320x64xf32, #tpu.memory_space<hbm>>
    tpu.enqueue_dma source(%dma_start3A_8 : memref<320x64xf32, #tpu.memory_space<hbm>>) target(%arg8 : memref<320x64xf32, #tpu.memory_space<vmem>>) target_semaphore(%arg11 : memref<!tpu.dma_semaphore, #tpu.memory_space<semaphore_mem>>)
    "tpu.region"() ({
      %run_scoped3A = tpu.sem_alloc : memref<!tpu.dma_semaphore, #tpu.memory_space<semaphore_mem>>
      %dma_start3A_196 = arith.constant 0 : i32
      %dma_start3A_197 = tpu.memref_slice %arg3[%dma_start3A_196, %multiple_of3A] : memref<16x10240xi32, #tpu.memory_space<hbm>> -> memref<16x320xi32, #tpu.memory_space<hbm>>
      %dma_start3A_198 = arith.constant 0 : i32
      %dma_start3A_199 = tpu.memref_slice %arg3[%dma_start3A_198, %multiple_of3A] : memref<16x10240xi32, #tpu.memory_space<hbm>> -> memref<16x320xi32, #tpu.memory_space<hbm>>
      tpu.enqueue_dma source(%dma_start3A_199 : memref<16x320xi32, #tpu.memory_space<hbm>>) target(%arg6 : memref<16x320xi32, #tpu.memory_space<vmem>>) target_semaphore(%run_scoped3A : memref<!tpu.dma_semaphore, #tpu.memory_space<semaphore_mem>>)
      %dma_wait3A_200 = arith.constant 0 : i32
      %dma_wait3A_201 = tpu.memref_slice %arg3[%dma_wait3A_200, %multiple_of3A] : memref<16x10240xi32, #tpu.memory_space<hbm>> -> memref<16x320xi32, #tpu.memory_space<hbm>>
      %dma_wait3A_202 = arith.constant 0 : i32
      %dma_wait3A_203 = tpu.memref_slice %arg3[%dma_wait3A_202, %multiple_of3A] : memref<16x10240xi32, #tpu.memory_space<hbm>> -> memref<16x320xi32, #tpu.memory_space<hbm>>
      tpu.wait_dma2 semaphore(%run_scoped3A : memref<!tpu.dma_semaphore, #tpu.memory_space<semaphore_mem>>) src(%dma_wait3A_203 : memref<16x320xi32, #tpu.memory_space<hbm>>) dst(%arg6 : memref<16x320xi32, #tpu.memory_space<vmem>>)
      tpu.yield
    }) : () -> ()
    %barrier3A = arith.constant 0 : index
    tpu.barrier barrier_id(%barrier3A)
    %multiple_of3A_9 = arith.constant 0 : i32
    %multiple_of3A_10 = tpu.assume_multiple %multiple_of3A_9, 64 : i32
    %dma_start3A_11 = arith.constant 0 : i32
    %dma_start3A_12 = arith.constant 0 : i32
    %dma_start3A_13 = arith.constant 0 : i32
    %dma_start3A_14 = tpu.memref_slice %arg7[%dma_start3A_12, %dma_start3A_13] : memref<2048x32xf32, #tpu.memory_space<vmem>> -> memref<64x32xf32, #tpu.memory_space<vmem>>
    %dma_start3A_15 = arith.constant 0 : i32
    %dma_start3A_16 = tpu.memref_slice %arg6[%dma_start3A_11, %dma_start3A_15] : memref<16x320xi32, #tpu.memory_space<vmem>> -> memref<1x320xi32, #tpu.memory_space<vmem>>
    %dma_start3A_17 = tpu.memref_squeeze %dma_start3A_16 : memref<1x320xi32, #tpu.memory_space<vmem>> -> memref<320xi32, #tpu.memory_space<vmem>>
    %dma_start3A_18 = tpu.memref_slice %dma_start3A_17[%multiple_of3A_10] : memref<320xi32, #tpu.memory_space<vmem>> -> memref<64xi32, #tpu.memory_space<vmem>>
    %dma_start3A_19 = arith.constant 0 : i32
    %dma_start3A_20 = arith.constant 0 : i32
    %dma_start3A_21 = tpu.memref_slice %arg5[%dma_start3A_19, %dma_start3A_20] : memref<10240x32xf32, #tpu.memory_space<vmem_shared>> -> memref<10240x32xf32, #tpu.memory_space<vmem_shared>>
    tpu.enqueue_indirect_dma source(%dma_start3A_21 : memref<10240x32xf32, #tpu.memory_space<vmem_shared>>) target(%dma_start3A_14 : memref<64x32xf32, #tpu.memory_space<vmem>>) offsets(%dma_start3A_18 : memref<64xi32, #tpu.memory_space<vmem>>) semaphore(%arg10 : memref<!tpu.dma_semaphore, #tpu.memory_space<semaphore_mem>>)
    %dma_start3A_22 = arith.constant 1 : i32
    %dma_start3A_23 = arith.constant 64 : i32
    %dma_start3A_24 = arith.constant 0 : i32
    %dma_start3A_25 = tpu.memref_slice %arg7[%dma_start3A_23, %dma_start3A_24] : memref<2048x32xf32, #tpu.memory_space<vmem>> -> memref<64x32xf32, #tpu.memory_space<vmem>>
    %dma_start3A_26 = arith.constant 0 : i32
    %dma_start3A_27 = tpu.memref_slice %arg6[%dma_start3A_22, %dma_start3A_26] : memref<16x320xi32, #tpu.memory_space<vmem>> -> memref<1x320xi32, #tpu.memory_space<vmem>>
    %dma_start3A_28 = tpu.memref_squeeze %dma_start3A_27 : memref<1x320xi32, #tpu.memory_space<vmem>> -> memref<320xi32, #tpu.memory_space<vmem>>
    %dma_start3A_29 = tpu.memref_slice %dma_start3A_28[%multiple_of3A_10] : memref<320xi32, #tpu.memory_space<vmem>> -> memref<64xi32, #tpu.memory_space<vmem>>
    %dma_start3A_30 = arith.constant 0 : i32
    %dma_start3A_31 = arith.constant 0 : i32
    %dma_start3A_32 = tpu.memref_slice %arg5[%dma_start3A_30, %dma_start3A_31] : memref<10240x32xf32, #tpu.memory_space<vmem_shared>> -> memref<10240x32xf32, #tpu.memory_space<vmem_shared>>
    tpu.enqueue_indirect_dma source(%dma_start3A_32 : memref<10240x32xf32, #tpu.memory_space<vmem_shared>>) target(%dma_start3A_25 : memref<64x32xf32, #tpu.memory_space<vmem>>) offsets(%dma_start3A_29 : memref<64xi32, #tpu.memory_space<vmem>>) semaphore(%arg10 : memref<!tpu.dma_semaphore, #tpu.memory_space<semaphore_mem>>)
    %dma_start3A_33 = arith.constant 2 : i32
    %dma_start3A_34 = arith.constant 128 : i32
    %dma_start3A_35 = arith.constant 0 : i32
    %dma_start3A_36 = tpu.memref_slice %arg7[%dma_start3A_34, %dma_start3A_35] : memref<2048x32xf32, #tpu.memory_space<vmem>> -> memref<64x32xf32, #tpu.memory_space<vmem>>
    %dma_start3A_37 = arith.constant 0 : i32
    %dma_start3A_38 = tpu.memref_slice %arg6[%dma_start3A_33, %dma_start3A_37] : memref<16x320xi32, #tpu.memory_space<vmem>> -> memref<1x320xi32, #tpu.memory_space<vmem>>
    %dma_start3A_39 = tpu.memref_squeeze %dma_start3A_38 : memref<1x320xi32, #tpu.memory_space<vmem>> -> memref<320xi32, #tpu.memory_space<vmem>>
    %dma_start3A_40 = tpu.memref_slice %dma_start3A_39[%multiple_of3A_10] : memref<320xi32, #tpu.memory_space<vmem>> -> memref<64xi32, #tpu.memory_space<vmem>>
    %dma_start3A_41 = arith.constant 0 : i32
    %dma_start3A_42 = arith.constant 0 : i32
    %dma_start3A_43 = tpu.memref_slice %arg5[%dma_start3A_41, %dma_start3A_42] : memref<10240x32xf32, #tpu.memory_space<vmem_shared>> -> memref<10240x32xf32, #tpu.memory_space<vmem_shared>>
    tpu.enqueue_indirect_dma source(%dma_start3A_43 : memref<10240x32xf32, #tpu.memory_space<vmem_shared>>) target(%dma_start3A_36 : memref<64x32xf32, #tpu.memory_space<vmem>>) offsets(%dma_start3A_40 : memref<64xi32, #tpu.memory_space<vmem>>) semaphore(%arg10 : memref<!tpu.dma_semaphore, #tpu.memory_space<semaphore_mem>>)
    %dma_start3A_44 = arith.constant 3 : i32
    %dma_start3A_45 = arith.constant 192 : i32
    %dma_start3A_46 = arith.constant 0 : i32
    %dma_start3A_47 = tpu.memref_slice %arg7[%dma_start3A_45, %dma_start3A_46] : memref<2048x32xf32, #tpu.memory_space<vmem>> -> memref<64x32xf32, #tpu.memory_space<vmem>>
    %dma_start3A_48 = arith.constant 0 : i32
    %dma_start3A_49 = tpu.memref_slice %arg6[%dma_start3A_44, %dma_start3A_48] : memref<16x320xi32, #tpu.memory_space<vmem>> -> memref<1x320xi32, #tpu.memory_space<vmem>>
    %dma_start3A_50 = tpu.memref_squeeze %dma_start3A_49 : memref<1x320xi32, #tpu.memory_space<vmem>> -> memref<320xi32, #tpu.memory_space<vmem>>
    %dma_start3A_51 = tpu.memref_slice %dma_start3A_50[%multiple_of3A_10] : memref<320xi32, #tpu.memory_space<vmem>> -> memref<64xi32, #tpu.memory_space<vmem>>
    %dma_start3A_52 = arith.constant 0 : i32
    %dma_start3A_53 = arith.constant 0 : i32
    %dma_start3A_54 = tpu.memref_slice %arg5[%dma_start3A_52, %dma_start3A_53] : memref<10240x32xf32, #tpu.memory_space<vmem_shared>> -> memref<10240x32xf32, #tpu.memory_space<vmem_shared>>
    tpu.enqueue_indirect_dma source(%dma_start3A_54 : memref<10240x32xf32, #tpu.memory_space<vmem_shared>>) target(%dma_start3A_47 : memref<64x32xf32, #tpu.memory_space<vmem>>) offsets(%dma_start3A_51 : memref<64xi32, #tpu.memory_space<vmem>>) semaphore(%arg10 : memref<!tpu.dma_semaphore, #tpu.memory_space<semaphore_mem>>)
    %dma_start3A_55 = arith.constant 4 : i32
    %dma_start3A_56 = arith.constant 256 : i32
    %dma_start3A_57 = arith.constant 0 : i32
    %dma_start3A_58 = tpu.memref_slice %arg7[%dma_start3A_56, %dma_start3A_57] : memref<2048x32xf32, #tpu.memory_space<vmem>> -> memref<64x32xf32, #tpu.memory_space<vmem>>
    %dma_start3A_59 = arith.constant 0 : i32
    %dma_start3A_60 = tpu.memref_slice %arg6[%dma_start3A_55, %dma_start3A_59] : memref<16x320xi32, #tpu.memory_space<vmem>> -> memref<1x320xi32, #tpu.memory_space<vmem>>
    %dma_start3A_61 = tpu.memref_squeeze %dma_start3A_60 : memref<1x320xi32, #tpu.memory_space<vmem>> -> memref<320xi32, #tpu.memory_space<vmem>>
    %dma_start3A_62 = tpu.memref_slice %dma_start3A_61[%multiple_of3A_10] : memref<320xi32, #tpu.memory_space<vmem>> -> memref<64xi32, #tpu.memory_space<vmem>>
    %dma_start3A_63 = arith.constant 0 : i32
    %dma_start3A_64 = arith.constant 0 : i32
    %dma_start3A_65 = tpu.memref_slice %arg5[%dma_start3A_63, %dma_start3A_64] : memref<10240x32xf32, #tpu.memory_space<vmem_shared>> -> memref<10240x32xf32, #tpu.memory_space<vmem_shared>>
    tpu.enqueue_indirect_dma source(%dma_start3A_65 : memref<10240x32xf32, #tpu.memory_space<vmem_shared>>) target(%dma_start3A_58 : memref<64x32xf32, #tpu.memory_space<vmem>>) offsets(%dma_start3A_62 : memref<64xi32, #tpu.memory_space<vmem>>) semaphore(%arg10 : memref<!tpu.dma_semaphore, #tpu.memory_space<semaphore_mem>>)
    %dma_start3A_66 = arith.constant 5 : i32
    %dma_start3A_67 = arith.constant 320 : i32
    %dma_start3A_68 = arith.constant 0 : i32
    %dma_start3A_69 = tpu.memref_slice %arg7[%dma_start3A_67, %dma_start3A_68] : memref<2048x32xf32, #tpu.memory_space<vmem>> -> memref<64x32xf32, #tpu.memory_space<vmem>>
    %dma_start3A_70 = arith.constant 0 : i32
    %dma_start3A_71 = tpu.memref_slice %arg6[%dma_start3A_66, %dma_start3A_70] : memref<16x320xi32, #tpu.memory_space<vmem>> -> memref<1x320xi32, #tpu.memory_space<vmem>>
    %dma_start3A_72 = tpu.memref_squeeze %dma_start3A_71 : memref<1x320xi32, #tpu.memory_space<vmem>> -> memref<320xi32, #tpu.memory_space<vmem>>
    %dma_start3A_73 = tpu.memref_slice %dma_start3A_72[%multiple_of3A_10] : memref<320xi32, #tpu.memory_space<vmem>> -> memref<64xi32, #tpu.memory_space<vmem>>
    %dma_start3A_74 = arith.constant 0 : i32
    %dma_start3A_75 = arith.constant 0 : i32
    %dma_start3A_76 = tpu.memref_slice %arg5[%dma_start3A_74, %dma_start3A_75] : memref<10240x32xf32, #tpu.memory_space<vmem_shared>> -> memref<10240x32xf32, #tpu.memory_space<vmem_shared>>
    tpu.enqueue_indirect_dma source(%dma_start3A_76 : memref<10240x32xf32, #tpu.memory_space<vmem_shared>>) target(%dma_start3A_69 : memref<64x32xf32, #tpu.memory_space<vmem>>) offsets(%dma_start3A_73 : memref<64xi32, #tpu.memory_space<vmem>>) semaphore(%arg10 : memref<!tpu.dma_semaphore, #tpu.memory_space<semaphore_mem>>)
    %dma_start3A_77 = arith.constant 6 : i32
    %dma_start3A_78 = arith.constant 384 : i32
    %dma_start3A_79 = arith.constant 0 : i32
    %dma_start3A_80 = tpu.memref_slice %arg7[%dma_start3A_78, %dma_start3A_79] : memref<2048x32xf32, #tpu.memory_space<vmem>> -> memref<64x32xf32, #tpu.memory_space<vmem>>
    %dma_start3A_81 = arith.constant 0 : i32
    %dma_start3A_82 = tpu.memref_slice %arg6[%dma_start3A_77, %dma_start3A_81] : memref<16x320xi32, #tpu.memory_space<vmem>> -> memref<1x320xi32, #tpu.memory_space<vmem>>
    %dma_start3A_83 = tpu.memref_squeeze %dma_start3A_82 : memref<1x320xi32, #tpu.memory_space<vmem>> -> memref<320xi32, #tpu.memory_space<vmem>>
    %dma_start3A_84 = tpu.memref_slice %dma_start3A_83[%multiple_of3A_10] : memref<320xi32, #tpu.memory_space<vmem>> -> memref<64xi32, #tpu.memory_space<vmem>>
    %dma_start3A_85 = arith.constant 0 : i32
    %dma_start3A_86 = arith.constant 0 : i32
    %dma_start3A_87 = tpu.memref_slice %arg5[%dma_start3A_85, %dma_start3A_86] : memref<10240x32xf32, #tpu.memory_space<vmem_shared>> -> memref<10240x32xf32, #tpu.memory_space<vmem_shared>>
    tpu.enqueue_indirect_dma source(%dma_start3A_87 : memref<10240x32xf32, #tpu.memory_space<vmem_shared>>) target(%dma_start3A_80 : memref<64x32xf32, #tpu.memory_space<vmem>>) offsets(%dma_start3A_84 : memref<64xi32, #tpu.memory_space<vmem>>) semaphore(%arg10 : memref<!tpu.dma_semaphore, #tpu.memory_space<semaphore_mem>>)
    %dma_start3A_88 = arith.constant 7 : i32
    %dma_start3A_89 = arith.constant 448 : i32
    %dma_start3A_90 = arith.constant 0 : i32
    %dma_start3A_91 = tpu.memref_slice %arg7[%dma_start3A_89, %dma_start3A_90] : memref<2048x32xf32, #tpu.memory_space<vmem>> -> memref<64x32xf32, #tpu.memory_space<vmem>>
    %dma_start3A_92 = arith.constant 0 : i32
    %dma_start3A_93 = tpu.memref_slice %arg6[%dma_start3A_88, %dma_start3A_92] : memref<16x320xi32, #tpu.memory_space<vmem>> -> memref<1x320xi32, #tpu.memory_space<vmem>>
    %dma_start3A_94 = tpu.memref_squeeze %dma_start3A_93 : memref<1x320xi32, #tpu.memory_space<vmem>> -> memref<320xi32, #tpu.memory_space<vmem>>
    %dma_start3A_95 = tpu.memref_slice %dma_start3A_94[%multiple_of3A_10] : memref<320xi32, #tpu.memory_space<vmem>> -> memref<64xi32, #tpu.memory_space<vmem>>
    %dma_start3A_96 = arith.constant 0 : i32
    %dma_start3A_97 = arith.constant 0 : i32
    %dma_start3A_98 = tpu.memref_slice %arg5[%dma_start3A_96, %dma_start3A_97] : memref<10240x32xf32, #tpu.memory_space<vmem_shared>> -> memref<10240x32xf32, #tpu.memory_space<vmem_shared>>
    tpu.enqueue_indirect_dma source(%dma_start3A_98 : memref<10240x32xf32, #tpu.memory_space<vmem_shared>>) target(%dma_start3A_91 : memref<64x32xf32, #tpu.memory_space<vmem>>) offsets(%dma_start3A_95 : memref<64xi32, #tpu.memory_space<vmem>>) semaphore(%arg10 : memref<!tpu.dma_semaphore, #tpu.memory_space<semaphore_mem>>)
    %dma_start3A_99 = arith.constant 8 : i32
    %dma_start3A_100 = arith.constant 512 : i32
    %dma_start3A_101 = arith.constant 0 : i32
    %dma_start3A_102 = tpu.memref_slice %arg7[%dma_start3A_100, %dma_start3A_101] : memref<2048x32xf32, #tpu.memory_space<vmem>> -> memref<64x32xf32, #tpu.memory_space<vmem>>
    %dma_start3A_103 = arith.constant 0 : i32
    %dma_start3A_104 = tpu.memref_slice %arg6[%dma_start3A_99, %dma_start3A_103] : memref<16x320xi32, #tpu.memory_space<vmem>> -> memref<1x320xi32, #tpu.memory_space<vmem>>
    %dma_start3A_105 = tpu.memref_squeeze %dma_start3A_104 : memref<1x320xi32, #tpu.memory_space<vmem>> -> memref<320xi32, #tpu.memory_space<vmem>>
    %dma_start3A_106 = tpu.memref_slice %dma_start3A_105[%multiple_of3A_10] : memref<320xi32, #tpu.memory_space<vmem>> -> memref<64xi32, #tpu.memory_space<vmem>>
    %dma_start3A_107 = arith.constant 0 : i32
    %dma_start3A_108 = arith.constant 0 : i32
    %dma_start3A_109 = tpu.memref_slice %arg5[%dma_start3A_107, %dma_start3A_108] : memref<10240x32xf32, #tpu.memory_space<vmem_shared>> -> memref<10240x32xf32, #tpu.memory_space<vmem_shared>>
    tpu.enqueue_indirect_dma source(%dma_start3A_109 : memref<10240x32xf32, #tpu.memory_space<vmem_shared>>) target(%dma_start3A_102 : memref<64x32xf32, #tpu.memory_space<vmem>>) offsets(%dma_start3A_106 : memref<64xi32, #tpu.memory_space<vmem>>) semaphore(%arg10 : memref<!tpu.dma_semaphore, #tpu.memory_space<semaphore_mem>>)
    %dma_start3A_110 = arith.constant 9 : i32
    %dma_start3A_111 = arith.constant 576 : i32
    %dma_start3A_112 = arith.constant 0 : i32
    %dma_start3A_113 = tpu.memref_slice %arg7[%dma_start3A_111, %dma_start3A_112] : memref<2048x32xf32, #tpu.memory_space<vmem>> -> memref<64x32xf32, #tpu.memory_space<vmem>>
    %dma_start3A_114 = arith.constant 0 : i32
    %dma_start3A_115 = tpu.memref_slice %arg6[%dma_start3A_110, %dma_start3A_114] : memref<16x320xi32, #tpu.memory_space<vmem>> -> memref<1x320xi32, #tpu.memory_space<vmem>>
    %dma_start3A_116 = tpu.memref_squeeze %dma_start3A_115 : memref<1x320xi32, #tpu.memory_space<vmem>> -> memref<320xi32, #tpu.memory_space<vmem>>
    %dma_start3A_117 = tpu.memref_slice %dma_start3A_116[%multiple_of3A_10] : memref<320xi32, #tpu.memory_space<vmem>> -> memref<64xi32, #tpu.memory_space<vmem>>
    %dma_start3A_118 = arith.constant 0 : i32
    %dma_start3A_119 = arith.constant 0 : i32
    %dma_start3A_120 = tpu.memref_slice %arg5[%dma_start3A_118, %dma_start3A_119] : memref<10240x32xf32, #tpu.memory_space<vmem_shared>> -> memref<10240x32xf32, #tpu.memory_space<vmem_shared>>
    tpu.enqueue_indirect_dma source(%dma_start3A_120 : memref<10240x32xf32, #tpu.memory_space<vmem_shared>>) target(%dma_start3A_113 : memref<64x32xf32, #tpu.memory_space<vmem>>) offsets(%dma_start3A_117 : memref<64xi32, #tpu.memory_space<vmem>>) semaphore(%arg10 : memref<!tpu.dma_semaphore, #tpu.memory_space<semaphore_mem>>)
    %dma_start3A_121 = arith.constant 10 : i32
    %dma_start3A_122 = arith.constant 640 : i32
    %dma_start3A_123 = arith.constant 0 : i32
    %dma_start3A_124 = tpu.memref_slice %arg7[%dma_start3A_122, %dma_start3A_123] : memref<2048x32xf32, #tpu.memory_space<vmem>> -> memref<64x32xf32, #tpu.memory_space<vmem>>
    %dma_start3A_125 = arith.constant 0 : i32
    %dma_start3A_126 = tpu.memref_slice %arg6[%dma_start3A_121, %dma_start3A_125] : memref<16x320xi32, #tpu.memory_space<vmem>> -> memref<1x320xi32, #tpu.memory_space<vmem>>
    %dma_start3A_127 = tpu.memref_squeeze %dma_start3A_126 : memref<1x320xi32, #tpu.memory_space<vmem>> -> memref<320xi32, #tpu.memory_space<vmem>>
    %dma_start3A_128 = tpu.memref_slice %dma_start3A_127[%multiple_of3A_10] : memref<320xi32, #tpu.memory_space<vmem>> -> memref<64xi32, #tpu.memory_space<vmem>>
    %dma_start3A_129 = arith.constant 0 : i32
    %dma_start3A_130 = arith.constant 0 : i32
    %dma_start3A_131 = tpu.memref_slice %arg5[%dma_start3A_129, %dma_start3A_130] : memref<10240x32xf32, #tpu.memory_space<vmem_shared>> -> memref<10240x32xf32, #tpu.memory_space<vmem_shared>>
    tpu.enqueue_indirect_dma source(%dma_start3A_131 : memref<10240x32xf32, #tpu.memory_space<vmem_shared>>) target(%dma_start3A_124 : memref<64x32xf32, #tpu.memory_space<vmem>>) offsets(%dma_start3A_128 : memref<64xi32, #tpu.memory_space<vmem>>) semaphore(%arg10 : memref<!tpu.dma_semaphore, #tpu.memory_space<semaphore_mem>>)
    %dma_start3A_132 = arith.constant 11 : i32
    %dma_start3A_133 = arith.constant 704 : i32
    %dma_start3A_134 = arith.constant 0 : i32
    %dma_start3A_135 = tpu.memref_slice %arg7[%dma_start3A_133, %dma_start3A_134] : memref<2048x32xf32, #tpu.memory_space<vmem>> -> memref<64x32xf32, #tpu.memory_space<vmem>>
    %dma_start3A_136 = arith.constant 0 : i32
    %dma_start3A_137 = tpu.memref_slice %arg6[%dma_start3A_132, %dma_start3A_136] : memref<16x320xi32, #tpu.memory_space<vmem>> -> memref<1x320xi32, #tpu.memory_space<vmem>>
    %dma_start3A_138 = tpu.memref_squeeze %dma_start3A_137 : memref<1x320xi32, #tpu.memory_space<vmem>> -> memref<320xi32, #tpu.memory_space<vmem>>
    %dma_start3A_139 = tpu.memref_slice %dma_start3A_138[%multiple_of3A_10] : memref<320xi32, #tpu.memory_space<vmem>> -> memref<64xi32, #tpu.memory_space<vmem>>
    %dma_start3A_140 = arith.constant 0 : i32
    %dma_start3A_141 = arith.constant 0 : i32
    %dma_start3A_142 = tpu.memref_slice %arg5[%dma_start3A_140, %dma_start3A_141] : memref<10240x32xf32, #tpu.memory_space<vmem_shared>> -> memref<10240x32xf32, #tpu.memory_space<vmem_shared>>
    tpu.enqueue_indirect_dma source(%dma_start3A_142 : memref<10240x32xf32, #tpu.memory_space<vmem_shared>>) target(%dma_start3A_135 : memref<64x32xf32, #tpu.memory_space<vmem>>) offsets(%dma_start3A_139 : memref<64xi32, #tpu.memory_space<vmem>>) semaphore(%arg10 : memref<!tpu.dma_semaphore, #tpu.memory_space<semaphore_mem>>)
    %dma_start3A_143 = arith.constant 12 : i32
    %dma_start3A_144 = arith.constant 768 : i32
    %dma_start3A_145 = arith.constant 0 : i32
    %dma_start3A_146 = tpu.memref_slice %arg7[%dma_start3A_144, %dma_start3A_145] : memref<2048x32xf32, #tpu.memory_space<vmem>> -> memref<64x32xf32, #tpu.memory_space<vmem>>
    %dma_start3A_147 = arith.constant 0 : i32
    %dma_start3A_148 = tpu.memref_slice %arg6[%dma_start3A_143, %dma_start3A_147] : memref<16x320xi32, #tpu.memory_space<vmem>> -> memref<1x320xi32, #tpu.memory_space<vmem>>
    %dma_start3A_149 = tpu.memref_squeeze %dma_start3A_148 : memref<1x320xi32, #tpu.memory_space<vmem>> -> memref<320xi32, #tpu.memory_space<vmem>>
    %dma_start3A_150 = tpu.memref_slice %dma_start3A_149[%multiple_of3A_10] : memref<320xi32, #tpu.memory_space<vmem>> -> memref<64xi32, #tpu.memory_space<vmem>>
    %dma_start3A_151 = arith.constant 0 : i32
    %dma_start3A_152 = arith.constant 0 : i32
    %dma_start3A_153 = tpu.memref_slice %arg5[%dma_start3A_151, %dma_start3A_152] : memref<10240x32xf32, #tpu.memory_space<vmem_shared>> -> memref<10240x32xf32, #tpu.memory_space<vmem_shared>>
    tpu.enqueue_indirect_dma source(%dma_start3A_153 : memref<10240x32xf32, #tpu.memory_space<vmem_shared>>) target(%dma_start3A_146 : memref<64x32xf32, #tpu.memory_space<vmem>>) offsets(%dma_start3A_150 : memref<64xi32, #tpu.memory_space<vmem>>) semaphore(%arg10 : memref<!tpu.dma_semaphore, #tpu.memory_space<semaphore_mem>>)
    %dma_start3A_154 = arith.constant 13 : i32
    %dma_start3A_155 = arith.constant 832 : i32
    %dma_start3A_156 = arith.constant 0 : i32
    %dma_start3A_157 = tpu.memref_slice %arg7[%dma_start3A_155, %dma_start3A_156] : memref<2048x32xf32, #tpu.memory_space<vmem>> -> memref<64x32xf32, #tpu.memory_space<vmem>>
    %dma_start3A_158 = arith.constant 0 : i32
    %dma_start3A_159 = tpu.memref_slice %arg6[%dma_start3A_154, %dma_start3A_158] : memref<16x320xi32, #tpu.memory_space<vmem>> -> memref<1x320xi32, #tpu.memory_space<vmem>>
    %dma_start3A_160 = tpu.memref_squeeze %dma_start3A_159 : memref<1x320xi32, #tpu.memory_space<vmem>> -> memref<320xi32, #tpu.memory_space<vmem>>
    %dma_start3A_161 = tpu.memref_slice %dma_start3A_160[%multiple_of3A_10] : memref<320xi32, #tpu.memory_space<vmem>> -> memref<64xi32, #tpu.memory_space<vmem>>
    %dma_start3A_162 = arith.constant 0 : i32
    %dma_start3A_163 = arith.constant 0 : i32
    %dma_start3A_164 = tpu.memref_slice %arg5[%dma_start3A_162, %dma_start3A_163] : memref<10240x32xf32, #tpu.memory_space<vmem_shared>> -> memref<10240x32xf32, #tpu.memory_space<vmem_shared>>
    tpu.enqueue_indirect_dma source(%dma_start3A_164 : memref<10240x32xf32, #tpu.memory_space<vmem_shared>>) target(%dma_start3A_157 : memref<64x32xf32, #tpu.memory_space<vmem>>) offsets(%dma_start3A_161 : memref<64xi32, #tpu.memory_space<vmem>>) semaphore(%arg10 : memref<!tpu.dma_semaphore, #tpu.memory_space<semaphore_mem>>)
    %dma_start3A_165 = arith.constant 14 : i32
    %dma_start3A_166 = arith.constant 896 : i32
    %dma_start3A_167 = arith.constant 0 : i32
    %dma_start3A_168 = tpu.memref_slice %arg7[%dma_start3A_166, %dma_start3A_167] : memref<2048x32xf32, #tpu.memory_space<vmem>> -> memref<64x32xf32, #tpu.memory_space<vmem>>
    %dma_start3A_169 = arith.constant 0 : i32
    %dma_start3A_170 = tpu.memref_slice %arg6[%dma_start3A_165, %dma_start3A_169] : memref<16x320xi32, #tpu.memory_space<vmem>> -> memref<1x320xi32, #tpu.memory_space<vmem>>
    %dma_start3A_171 = tpu.memref_squeeze %dma_start3A_170 : memref<1x320xi32, #tpu.memory_space<vmem>> -> memref<320xi32, #tpu.memory_space<vmem>>
    %dma_start3A_172 = tpu.memref_slice %dma_start3A_171[%multiple_of3A_10] : memref<320xi32, #tpu.memory_space<vmem>> -> memref<64xi32, #tpu.memory_space<vmem>>
    %dma_start3A_173 = arith.constant 0 : i32
    %dma_start3A_174 = arith.constant 0 : i32
    %dma_start3A_175 = tpu.memref_slice %arg5[%dma_start3A_173, %dma_start3A_174] : memref<10240x32xf32, #tpu.memory_space<vmem_shared>> -> memref<10240x32xf32, #tpu.memory_space<vmem_shared>>
    tpu.enqueue_indirect_dma source(%dma_start3A_175 : memref<10240x32xf32, #tpu.memory_space<vmem_shared>>) target(%dma_start3A_168 : memref<64x32xf32, #tpu.memory_space<vmem>>) offsets(%dma_start3A_172 : memref<64xi32, #tpu.memory_space<vmem>>) semaphore(%arg10 : memref<!tpu.dma_semaphore, #tpu.memory_space<semaphore_mem>>)
    %dma_start3A_176 = arith.constant 15 : i32
    %dma_start3A_177 = arith.constant 960 : i32
    %dma_start3A_178 = arith.constant 0 : i32
    %dma_start3A_179 = tpu.memref_slice %arg7[%dma_start3A_177, %dma_start3A_178] : memref<2048x32xf32, #tpu.memory_space<vmem>> -> memref<64x32xf32, #tpu.memory_space<vmem>>
    %dma_start3A_180 = arith.constant 0 : i32
    %dma_start3A_181 = tpu.memref_slice %arg6[%dma_start3A_176, %dma_start3A_180] : memref<16x320xi32, #tpu.memory_space<vmem>> -> memref<1x320xi32, #tpu.memory_space<vmem>>
    %dma_start3A_182 = tpu.memref_squeeze %dma_start3A_181 : memref<1x320xi32, #tpu.memory_space<vmem>> -> memref<320xi32, #tpu.memory_space<vmem>>
    %dma_start3A_183 = tpu.memref_slice %dma_start3A_182[%multiple_of3A_10] : memref<320xi32, #tpu.memory_space<vmem>> -> memref<64xi32, #tpu.memory_space<vmem>>
    %dma_start3A_184 = arith.constant 0 : i32
    %dma_start3A_185 = arith.constant 0 : i32
    %dma_start3A_186 = tpu.memref_slice %arg5[%dma_start3A_184, %dma_start3A_185] : memref<10240x32xf32, #tpu.memory_space<vmem_shared>> -> memref<10240x32xf32, #tpu.memory_space<vmem_shared>>
    tpu.enqueue_indirect_dma source(%dma_start3A_186 : memref<10240x32xf32, #tpu.memory_space<vmem_shared>>) target(%dma_start3A_179 : memref<64x32xf32, #tpu.memory_space<vmem>>) offsets(%dma_start3A_183 : memref<64xi32, #tpu.memory_space<vmem>>) semaphore(%arg10 : memref<!tpu.dma_semaphore, #tpu.memory_space<semaphore_mem>>)
    %dma_wait3A = arith.constant 0 : i32
    %dma_wait3A_187 = tpu.memref_slice %arg2[%multiple_of3A, %dma_wait3A] : memref<10240x64xf32, #tpu.memory_space<hbm>> -> memref<320x64xf32, #tpu.memory_space<hbm>>
    %dma_wait3A_188 = arith.constant 0 : i32
    %dma_wait3A_189 = tpu.memref_slice %arg2[%multiple_of3A, %dma_wait3A_188] : memref<10240x64xf32, #tpu.memory_space<hbm>> -> memref<320x64xf32, #tpu.memory_space<hbm>>
    tpu.wait_dma2 semaphore(%arg11 : memref<!tpu.dma_semaphore, #tpu.memory_space<semaphore_mem>>) src(%dma_wait3A_189 : memref<320x64xf32, #tpu.memory_space<hbm>>) dst(%arg8 : memref<320x64xf32, #tpu.memory_space<vmem>>)
    %scan3A = arith.constant 0 : i32
    %scan3A_190 = arith.constant 0 : i32
    %scan3A_191 = arith.constant 5 : i32
    %scan3A_192 = arith.addi %scan3A_190, %scan3A_191 : i32
    %scan3A_193 = arith.constant 1 : i32
    %scan3A_194 = scf.for %scan3A_196 = %scan3A_190 to %scan3A_192 step %scan3A_193 iter_args(%scan3A_197 = %scan3A) -> (i32)  : i32 {
      %rem3A = arith.constant 2 : i32
      %rem3A_198 = arith.remsi %scan3A_196, %rem3A : i32
      %mul3A_199 = arith.constant 1024 : i32
      %mul3A_200 = arith.muli %rem3A_198, %mul3A_199 : i32
      %multiple_of3A_201 = tpu.assume_multiple %mul3A_200, 1024 : i32
      %add3A_202 = arith.constant 1 : i32
      %add3A_203 = arith.addi %scan3A_196, %add3A_202 : i32
      %rem3A_204 = arith.constant 2 : i32
      %rem3A_205 = arith.remsi %add3A_203, %rem3A_204 : i32
      %mul3A_206 = arith.constant 1024 : i32
      %mul3A_207 = arith.muli %rem3A_205, %mul3A_206 : i32
      %multiple_of3A_208 = tpu.assume_multiple %mul3A_207, 1024 : i32
      %dma_wait3A_209 = arith.constant 0 : i32
      %dma_wait3A_210 = tpu.memref_slice %arg7[%multiple_of3A_201, %dma_wait3A_209] : memref<2048x32xf32, #tpu.memory_space<vmem>> -> memref<1024x32xf32, #tpu.memory_space<vmem>>
      %dma_wait3A_211 = arith.constant 0 : i32
      %dma_wait3A_212 = arith.constant 0 : i32
      %dma_wait3A_213 = tpu.memref_slice %arg2[%dma_wait3A_211, %dma_wait3A_212] : memref<10240x64xf32, #tpu.memory_space<hbm>> -> memref<1024x32xf32, #tpu.memory_space<hbm>>
      %dma_wait3A_214 = arith.constant 0 : i32
      %dma_wait3A_215 = tpu.memref_slice %arg7[%multiple_of3A_201, %dma_wait3A_214] : memref<2048x32xf32, #tpu.memory_space<vmem>> -> memref<1024x32xf32, #tpu.memory_space<vmem>>
      %dma_wait3A_216 = arith.constant 0 : i32
      %dma_wait3A_217 = arith.constant 0 : i32
      %dma_wait3A_218 = tpu.memref_slice %arg2[%dma_wait3A_216, %dma_wait3A_217] : memref<10240x64xf32, #tpu.memory_space<hbm>> -> memref<1024x32xf32, #tpu.memory_space<hbm>>
      tpu.wait_dma2 semaphore(%arg10 : memref<!tpu.dma_semaphore, #tpu.memory_space<semaphore_mem>>) src(%dma_wait3A_218 : memref<1024x32xf32, #tpu.memory_space<hbm>>) dst(%dma_wait3A_215 : memref<1024x32xf32, #tpu.memory_space<vmem>>)
      %add3A_219 = arith.constant 1 : i32
      %add3A_220 = arith.addi %scan3A_196, %add3A_219 : i32
      %lt3A = arith.constant 5 : i32
      %lt3A_221 = arith.cmpi slt, %add3A_220, %lt3A : i32
      %convert_element_type3A = arith.extui %lt3A_221 : i1 to i32
      %cond3A = arith.constant 0 : i32
      %cond3A_222 = arith.cmpi ne, %convert_element_type3A, %cond3A : i32
      scf.if %cond3A_222 {
        %add3A_231 = arith.constant 1 : i32
        %add3A_232 = arith.addi %scan3A_196, %add3A_231 : i32
        %mul3A_233 = arith.constant 64 : i32
        %mul3A_234 = arith.muli %add3A_232, %mul3A_233 : i32
        %multiple_of3A_235 = tpu.assume_multiple %mul3A_234, 64 : i32
        %add3A_236 = arith.constant 0 : i32
        %add3A_237 = arith.addi %multiple_of3A_208, %add3A_236 : i32
        %dma_start3A_238 = arith.constant 0 : i32
        %dma_start3A_239 = arith.constant 0 : i32
        %dma_start3A_240 = tpu.memref_slice %arg7[%add3A_237, %dma_start3A_239] : memref<2048x32xf32, #tpu.memory_space<vmem>> -> memref<64x32xf32, #tpu.memory_space<vmem>>
        %dma_start3A_241 = arith.constant 0 : i32
        %dma_start3A_242 = tpu.memref_slice %arg6[%dma_start3A_238, %dma_start3A_241] : memref<16x320xi32, #tpu.memory_space<vmem>> -> memref<1x320xi32, #tpu.memory_space<vmem>>
        %dma_start3A_243 = tpu.memref_squeeze %dma_start3A_242 : memref<1x320xi32, #tpu.memory_space<vmem>> -> memref<320xi32, #tpu.memory_space<vmem>>
        %dma_start3A_244 = tpu.memref_slice %dma_start3A_243[%multiple_of3A_235] : memref<320xi32, #tpu.memory_space<vmem>> -> memref<64xi32, #tpu.memory_space<vmem>>
        %dma_start3A_245 = arith.constant 0 : i32
        %dma_start3A_246 = arith.constant 0 : i32
        %dma_start3A_247 = tpu.memref_slice %arg5[%dma_start3A_245, %dma_start3A_246] : memref<10240x32xf32, #tpu.memory_space<vmem_shared>> -> memref<10240x32xf32, #tpu.memory_space<vmem_shared>>
        tpu.enqueue_indirect_dma source(%dma_start3A_247 : memref<10240x32xf32, #tpu.memory_space<vmem_shared>>) target(%dma_start3A_240 : memref<64x32xf32, #tpu.memory_space<vmem>>) offsets(%dma_start3A_244 : memref<64xi32, #tpu.memory_space<vmem>>) semaphore(%arg10 : memref<!tpu.dma_semaphore, #tpu.memory_space<semaphore_mem>>)
        %add3A_248 = arith.constant 64 : i32
        %add3A_249 = arith.addi %multiple_of3A_208, %add3A_248 : i32
        %dma_start3A_250 = arith.constant 1 : i32
        %dma_start3A_251 = arith.constant 0 : i32
        %dma_start3A_252 = tpu.memref_slice %arg7[%add3A_249, %dma_start3A_251] : memref<2048x32xf32, #tpu.memory_space<vmem>> -> memref<64x32xf32, #tpu.memory_space<vmem>>
        %dma_start3A_253 = arith.constant 0 : i32
        %dma_start3A_254 = tpu.memref_slice %arg6[%dma_start3A_250, %dma_start3A_253] : memref<16x320xi32, #tpu.memory_space<vmem>> -> memref<1x320xi32, #tpu.memory_space<vmem>>
        %dma_start3A_255 = tpu.memref_squeeze %dma_start3A_254 : memref<1x320xi32, #tpu.memory_space<vmem>> -> memref<320xi32, #tpu.memory_space<vmem>>
        %dma_start3A_256 = tpu.memref_slice %dma_start3A_255[%multiple_of3A_235] : memref<320xi32, #tpu.memory_space<vmem>> -> memref<64xi32, #tpu.memory_space<vmem>>
        %dma_start3A_257 = arith.constant 0 : i32
        %dma_start3A_258 = arith.constant 0 : i32
        %dma_start3A_259 = tpu.memref_slice %arg5[%dma_start3A_257, %dma_start3A_258] : memref<10240x32xf32, #tpu.memory_space<vmem_shared>> -> memref<10240x32xf32, #tpu.memory_space<vmem_shared>>
        tpu.enqueue_indirect_dma source(%dma_start3A_259 : memref<10240x32xf32, #tpu.memory_space<vmem_shared>>) target(%dma_start3A_252 : memref<64x32xf32, #tpu.memory_space<vmem>>) offsets(%dma_start3A_256 : memref<64xi32, #tpu.memory_space<vmem>>) semaphore(%arg10 : memref<!tpu.dma_semaphore, #tpu.memory_space<semaphore_mem>>)
        %add3A_260 = arith.constant 128 : i32
        %add3A_261 = arith.addi %multiple_of3A_208, %add3A_260 : i32
        %dma_start3A_262 = arith.constant 2 : i32
        %dma_start3A_263 = arith.constant 0 : i32
        %dma_start3A_264 = tpu.memref_slice %arg7[%add3A_261, %dma_start3A_263] : memref<2048x32xf32, #tpu.memory_space<vmem>> -> memref<64x32xf32, #tpu.memory_space<vmem>>
        %dma_start3A_265 = arith.constant 0 : i32
        %dma_start3A_266 = tpu.memref_slice %arg6[%dma_start3A_262, %dma_start3A_265] : memref<16x320xi32, #tpu.memory_space<vmem>> -> memref<1x320xi32, #tpu.memory_space<vmem>>
        %dma_start3A_267 = tpu.memref_squeeze %dma_start3A_266 : memref<1x320xi32, #tpu.memory_space<vmem>> -> memref<320xi32, #tpu.memory_space<vmem>>
        %dma_start3A_268 = tpu.memref_slice %dma_start3A_267[%multiple_of3A_235] : memref<320xi32, #tpu.memory_space<vmem>> -> memref<64xi32, #tpu.memory_space<vmem>>
        %dma_start3A_269 = arith.constant 0 : i32
        %dma_start3A_270 = arith.constant 0 : i32
        %dma_start3A_271 = tpu.memref_slice %arg5[%dma_start3A_269, %dma_start3A_270] : memref<10240x32xf32, #tpu.memory_space<vmem_shared>> -> memref<10240x32xf32, #tpu.memory_space<vmem_shared>>
        tpu.enqueue_indirect_dma source(%dma_start3A_271 : memref<10240x32xf32, #tpu.memory_space<vmem_shared>>) target(%dma_start3A_264 : memref<64x32xf32, #tpu.memory_space<vmem>>) offsets(%dma_start3A_268 : memref<64xi32, #tpu.memory_space<vmem>>) semaphore(%arg10 : memref<!tpu.dma_semaphore, #tpu.memory_space<semaphore_mem>>)
        %add3A_272 = arith.constant 192 : i32
        %add3A_273 = arith.addi %multiple_of3A_208, %add3A_272 : i32
        %dma_start3A_274 = arith.constant 3 : i32
        %dma_start3A_275 = arith.constant 0 : i32
        %dma_start3A_276 = tpu.memref_slice %arg7[%add3A_273, %dma_start3A_275] : memref<2048x32xf32, #tpu.memory_space<vmem>> -> memref<64x32xf32, #tpu.memory_space<vmem>>
        %dma_start3A_277 = arith.constant 0 : i32
        %dma_start3A_278 = tpu.memref_slice %arg6[%dma_start3A_274, %dma_start3A_277] : memref<16x320xi32, #tpu.memory_space<vmem>> -> memref<1x320xi32, #tpu.memory_space<vmem>>
        %dma_start3A_279 = tpu.memref_squeeze %dma_start3A_278 : memref<1x320xi32, #tpu.memory_space<vmem>> -> memref<320xi32, #tpu.memory_space<vmem>>
        %dma_start3A_280 = tpu.memref_slice %dma_start3A_279[%multiple_of3A_235] : memref<320xi32, #tpu.memory_space<vmem>> -> memref<64xi32, #tpu.memory_space<vmem>>
        %dma_start3A_281 = arith.constant 0 : i32
        %dma_start3A_282 = arith.constant 0 : i32
        %dma_start3A_283 = tpu.memref_slice %arg5[%dma_start3A_281, %dma_start3A_282] : memref<10240x32xf32, #tpu.memory_space<vmem_shared>> -> memref<10240x32xf32, #tpu.memory_space<vmem_shared>>
        tpu.enqueue_indirect_dma source(%dma_start3A_283 : memref<10240x32xf32, #tpu.memory_space<vmem_shared>>) target(%dma_start3A_276 : memref<64x32xf32, #tpu.memory_space<vmem>>) offsets(%dma_start3A_280 : memref<64xi32, #tpu.memory_space<vmem>>) semaphore(%arg10 : memref<!tpu.dma_semaphore, #tpu.memory_space<semaphore_mem>>)
        %add3A_284 = arith.constant 256 : i32
        %add3A_285 = arith.addi %multiple_of3A_208, %add3A_284 : i32
        %dma_start3A_286 = arith.constant 4 : i32
        %dma_start3A_287 = arith.constant 0 : i32
        %dma_start3A_288 = tpu.memref_slice %arg7[%add3A_285, %dma_start3A_287] : memref<2048x32xf32, #tpu.memory_space<vmem>> -> memref<64x32xf32, #tpu.memory_space<vmem>>
        %dma_start3A_289 = arith.constant 0 : i32
        %dma_start3A_290 = tpu.memref_slice %arg6[%dma_start3A_286, %dma_start3A_289] : memref<16x320xi32, #tpu.memory_space<vmem>> -> memref<1x320xi32, #tpu.memory_space<vmem>>
        %dma_start3A_291 = tpu.memref_squeeze %dma_start3A_290 : memref<1x320xi32, #tpu.memory_space<vmem>> -> memref<320xi32, #tpu.memory_space<vmem>>
        %dma_start3A_292 = tpu.memref_slice %dma_start3A_291[%multiple_of3A_235] : memref<320xi32, #tpu.memory_space<vmem>> -> memref<64xi32, #tpu.memory_space<vmem>>
        %dma_start3A_293 = arith.constant 0 : i32
        %dma_start3A_294 = arith.constant 0 : i32
        %dma_start3A_295 = tpu.memref_slice %arg5[%dma_start3A_293, %dma_start3A_294] : memref<10240x32xf32, #tpu.memory_space<vmem_shared>> -> memref<10240x32xf32, #tpu.memory_space<vmem_shared>>
        tpu.enqueue_indirect_dma source(%dma_start3A_295 : memref<10240x32xf32, #tpu.memory_space<vmem_shared>>) target(%dma_start3A_288 : memref<64x32xf32, #tpu.memory_space<vmem>>) offsets(%dma_start3A_292 : memref<64xi32, #tpu.memory_space<vmem>>) semaphore(%arg10 : memref<!tpu.dma_semaphore, #tpu.memory_space<semaphore_mem>>)
        %add3A_296 = arith.constant 320 : i32
        %add3A_297 = arith.addi %multiple_of3A_208, %add3A_296 : i32
        %dma_start3A_298 = arith.constant 5 : i32
        %dma_start3A_299 = arith.constant 0 : i32
        %dma_start3A_300 = tpu.memref_slice %arg7[%add3A_297, %dma_start3A_299] : memref<2048x32xf32, #tpu.memory_space<vmem>> -> memref<64x32xf32, #tpu.memory_space<vmem>>
        %dma_start3A_301 = arith.constant 0 : i32
        %dma_start3A_302 = tpu.memref_slice %arg6[%dma_start3A_298, %dma_start3A_301] : memref<16x320xi32, #tpu.memory_space<vmem>> -> memref<1x320xi32, #tpu.memory_space<vmem>>
        %dma_start3A_303 = tpu.memref_squeeze %dma_start3A_302 : memref<1x320xi32, #tpu.memory_space<vmem>> -> memref<320xi32, #tpu.memory_space<vmem>>
        %dma_start3A_304 = tpu.memref_slice %dma_start3A_303[%multiple_of3A_235] : memref<320xi32, #tpu.memory_space<vmem>> -> memref<64xi32, #tpu.memory_space<vmem>>
        %dma_start3A_305 = arith.constant 0 : i32
        %dma_start3A_306 = arith.constant 0 : i32
        %dma_start3A_307 = tpu.memref_slice %arg5[%dma_start3A_305, %dma_start3A_306] : memref<10240x32xf32, #tpu.memory_space<vmem_shared>> -> memref<10240x32xf32, #tpu.memory_space<vmem_shared>>
        tpu.enqueue_indirect_dma source(%dma_start3A_307 : memref<10240x32xf32, #tpu.memory_space<vmem_shared>>) target(%dma_start3A_300 : memref<64x32xf32, #tpu.memory_space<vmem>>) offsets(%dma_start3A_304 : memref<64xi32, #tpu.memory_space<vmem>>) semaphore(%arg10 : memref<!tpu.dma_semaphore, #tpu.memory_space<semaphore_mem>>)
        %add3A_308 = arith.constant 384 : i32
        %add3A_309 = arith.addi %multiple_of3A_208, %add3A_308 : i32
        %dma_start3A_310 = arith.constant 6 : i32
        %dma_start3A_311 = arith.constant 0 : i32
        %dma_start3A_312 = tpu.memref_slice %arg7[%add3A_309, %dma_start3A_311] : memref<2048x32xf32, #tpu.memory_space<vmem>> -> memref<64x32xf32, #tpu.memory_space<vmem>>
        %dma_start3A_313 = arith.constant 0 : i32
        %dma_start3A_314 = tpu.memref_slice %arg6[%dma_start3A_310, %dma_start3A_313] : memref<16x320xi32, #tpu.memory_space<vmem>> -> memref<1x320xi32, #tpu.memory_space<vmem>>
        %dma_start3A_315 = tpu.memref_squeeze %dma_start3A_314 : memref<1x320xi32, #tpu.memory_space<vmem>> -> memref<320xi32, #tpu.memory_space<vmem>>
        %dma_start3A_316 = tpu.memref_slice %dma_start3A_315[%multiple_of3A_235] : memref<320xi32, #tpu.memory_space<vmem>> -> memref<64xi32, #tpu.memory_space<vmem>>
        %dma_start3A_317 = arith.constant 0 : i32
        %dma_start3A_318 = arith.constant 0 : i32
        %dma_start3A_319 = tpu.memref_slice %arg5[%dma_start3A_317, %dma_start3A_318] : memref<10240x32xf32, #tpu.memory_space<vmem_shared>> -> memref<10240x32xf32, #tpu.memory_space<vmem_shared>>
        tpu.enqueue_indirect_dma source(%dma_start3A_319 : memref<10240x32xf32, #tpu.memory_space<vmem_shared>>) target(%dma_start3A_312 : memref<64x32xf32, #tpu.memory_space<vmem>>) offsets(%dma_start3A_316 : memref<64xi32, #tpu.memory_space<vmem>>) semaphore(%arg10 : memref<!tpu.dma_semaphore, #tpu.memory_space<semaphore_mem>>)
        %add3A_320 = arith.constant 448 : i32
        %add3A_321 = arith.addi %multiple_of3A_208, %add3A_320 : i32
        %dma_start3A_322 = arith.constant 7 : i32
        %dma_start3A_323 = arith.constant 0 : i32
        %dma_start3A_324 = tpu.memref_slice %arg7[%add3A_321, %dma_start3A_323] : memref<2048x32xf32, #tpu.memory_space<vmem>> -> memref<64x32xf32, #tpu.memory_space<vmem>>
        %dma_start3A_325 = arith.constant 0 : i32
        %dma_start3A_326 = tpu.memref_slice %arg6[%dma_start3A_322, %dma_start3A_325] : memref<16x320xi32, #tpu.memory_space<vmem>> -> memref<1x320xi32, #tpu.memory_space<vmem>>
        %dma_start3A_327 = tpu.memref_squeeze %dma_start3A_326 : memref<1x320xi32, #tpu.memory_space<vmem>> -> memref<320xi32, #tpu.memory_space<vmem>>
        %dma_start3A_328 = tpu.memref_slice %dma_start3A_327[%multiple_of3A_235] : memref<320xi32, #tpu.memory_space<vmem>> -> memref<64xi32, #tpu.memory_space<vmem>>
        %dma_start3A_329 = arith.constant 0 : i32
        %dma_start3A_330 = arith.constant 0 : i32
        %dma_start3A_331 = tpu.memref_slice %arg5[%dma_start3A_329, %dma_start3A_330] : memref<10240x32xf32, #tpu.memory_space<vmem_shared>> -> memref<10240x32xf32, #tpu.memory_space<vmem_shared>>
        tpu.enqueue_indirect_dma source(%dma_start3A_331 : memref<10240x32xf32, #tpu.memory_space<vmem_shared>>) target(%dma_start3A_324 : memref<64x32xf32, #tpu.memory_space<vmem>>) offsets(%dma_start3A_328 : memref<64xi32, #tpu.memory_space<vmem>>) semaphore(%arg10 : memref<!tpu.dma_semaphore, #tpu.memory_space<semaphore_mem>>)
        %add3A_332 = arith.constant 512 : i32
        %add3A_333 = arith.addi %multiple_of3A_208, %add3A_332 : i32
        %dma_start3A_334 = arith.constant 8 : i32
        %dma_start3A_335 = arith.constant 0 : i32
        %dma_start3A_336 = tpu.memref_slice %arg7[%add3A_333, %dma_start3A_335] : memref<2048x32xf32, #tpu.memory_space<vmem>> -> memref<64x32xf32, #tpu.memory_space<vmem>>
        %dma_start3A_337 = arith.constant 0 : i32
        %dma_start3A_338 = tpu.memref_slice %arg6[%dma_start3A_334, %dma_start3A_337] : memref<16x320xi32, #tpu.memory_space<vmem>> -> memref<1x320xi32, #tpu.memory_space<vmem>>
        %dma_start3A_339 = tpu.memref_squeeze %dma_start3A_338 : memref<1x320xi32, #tpu.memory_space<vmem>> -> memref<320xi32, #tpu.memory_space<vmem>>
        %dma_start3A_340 = tpu.memref_slice %dma_start3A_339[%multiple_of3A_235] : memref<320xi32, #tpu.memory_space<vmem>> -> memref<64xi32, #tpu.memory_space<vmem>>
        %dma_start3A_341 = arith.constant 0 : i32
        %dma_start3A_342 = arith.constant 0 : i32
        %dma_start3A_343 = tpu.memref_slice %arg5[%dma_start3A_341, %dma_start3A_342] : memref<10240x32xf32, #tpu.memory_space<vmem_shared>> -> memref<10240x32xf32, #tpu.memory_space<vmem_shared>>
        tpu.enqueue_indirect_dma source(%dma_start3A_343 : memref<10240x32xf32, #tpu.memory_space<vmem_shared>>) target(%dma_start3A_336 : memref<64x32xf32, #tpu.memory_space<vmem>>) offsets(%dma_start3A_340 : memref<64xi32, #tpu.memory_space<vmem>>) semaphore(%arg10 : memref<!tpu.dma_semaphore, #tpu.memory_space<semaphore_mem>>)
        %add3A_344 = arith.constant 576 : i32
        %add3A_345 = arith.addi %multiple_of3A_208, %add3A_344 : i32
        %dma_start3A_346 = arith.constant 9 : i32
        %dma_start3A_347 = arith.constant 0 : i32
        %dma_start3A_348 = tpu.memref_slice %arg7[%add3A_345, %dma_start3A_347] : memref<2048x32xf32, #tpu.memory_space<vmem>> -> memref<64x32xf32, #tpu.memory_space<vmem>>
        %dma_start3A_349 = arith.constant 0 : i32
        %dma_start3A_350 = tpu.memref_slice %arg6[%dma_start3A_346, %dma_start3A_349] : memref<16x320xi32, #tpu.memory_space<vmem>> -> memref<1x320xi32, #tpu.memory_space<vmem>>
        %dma_start3A_351 = tpu.memref_squeeze %dma_start3A_350 : memref<1x320xi32, #tpu.memory_space<vmem>> -> memref<320xi32, #tpu.memory_space<vmem>>
        %dma_start3A_352 = tpu.memref_slice %dma_start3A_351[%multiple_of3A_235] : memref<320xi32, #tpu.memory_space<vmem>> -> memref<64xi32, #tpu.memory_space<vmem>>
        %dma_start3A_353 = arith.constant 0 : i32
        %dma_start3A_354 = arith.constant 0 : i32
        %dma_start3A_355 = tpu.memref_slice %arg5[%dma_start3A_353, %dma_start3A_354] : memref<10240x32xf32, #tpu.memory_space<vmem_shared>> -> memref<10240x32xf32, #tpu.memory_space<vmem_shared>>
        tpu.enqueue_indirect_dma source(%dma_start3A_355 : memref<10240x32xf32, #tpu.memory_space<vmem_shared>>) target(%dma_start3A_348 : memref<64x32xf32, #tpu.memory_space<vmem>>) offsets(%dma_start3A_352 : memref<64xi32, #tpu.memory_space<vmem>>) semaphore(%arg10 : memref<!tpu.dma_semaphore, #tpu.memory_space<semaphore_mem>>)
        %add3A_356 = arith.constant 640 : i32
        %add3A_357 = arith.addi %multiple_of3A_208, %add3A_356 : i32
        %dma_start3A_358 = arith.constant 10 : i32
        %dma_start3A_359 = arith.constant 0 : i32
        %dma_start3A_360 = tpu.memref_slice %arg7[%add3A_357, %dma_start3A_359] : memref<2048x32xf32, #tpu.memory_space<vmem>> -> memref<64x32xf32, #tpu.memory_space<vmem>>
        %dma_start3A_361 = arith.constant 0 : i32
        %dma_start3A_362 = tpu.memref_slice %arg6[%dma_start3A_358, %dma_start3A_361] : memref<16x320xi32, #tpu.memory_space<vmem>> -> memref<1x320xi32, #tpu.memory_space<vmem>>
        %dma_start3A_363 = tpu.memref_squeeze %dma_start3A_362 : memref<1x320xi32, #tpu.memory_space<vmem>> -> memref<320xi32, #tpu.memory_space<vmem>>
        %dma_start3A_364 = tpu.memref_slice %dma_start3A_363[%multiple_of3A_235] : memref<320xi32, #tpu.memory_space<vmem>> -> memref<64xi32, #tpu.memory_space<vmem>>
        %dma_start3A_365 = arith.constant 0 : i32
        %dma_start3A_366 = arith.constant 0 : i32
        %dma_start3A_367 = tpu.memref_slice %arg5[%dma_start3A_365, %dma_start3A_366] : memref<10240x32xf32, #tpu.memory_space<vmem_shared>> -> memref<10240x32xf32, #tpu.memory_space<vmem_shared>>
        tpu.enqueue_indirect_dma source(%dma_start3A_367 : memref<10240x32xf32, #tpu.memory_space<vmem_shared>>) target(%dma_start3A_360 : memref<64x32xf32, #tpu.memory_space<vmem>>) offsets(%dma_start3A_364 : memref<64xi32, #tpu.memory_space<vmem>>) semaphore(%arg10 : memref<!tpu.dma_semaphore, #tpu.memory_space<semaphore_mem>>)
        %add3A_368 = arith.constant 704 : i32
        %add3A_369 = arith.addi %multiple_of3A_208, %add3A_368 : i32
        %dma_start3A_370 = arith.constant 11 : i32
        %dma_start3A_371 = arith.constant 0 : i32
        %dma_start3A_372 = tpu.memref_slice %arg7[%add3A_369, %dma_start3A_371] : memref<2048x32xf32, #tpu.memory_space<vmem>> -> memref<64x32xf32, #tpu.memory_space<vmem>>
        %dma_start3A_373 = arith.constant 0 : i32
        %dma_start3A_374 = tpu.memref_slice %arg6[%dma_start3A_370, %dma_start3A_373] : memref<16x320xi32, #tpu.memory_space<vmem>> -> memref<1x320xi32, #tpu.memory_space<vmem>>
        %dma_start3A_375 = tpu.memref_squeeze %dma_start3A_374 : memref<1x320xi32, #tpu.memory_space<vmem>> -> memref<320xi32, #tpu.memory_space<vmem>>
        %dma_start3A_376 = tpu.memref_slice %dma_start3A_375[%multiple_of3A_235] : memref<320xi32, #tpu.memory_space<vmem>> -> memref<64xi32, #tpu.memory_space<vmem>>
        %dma_start3A_377 = arith.constant 0 : i32
        %dma_start3A_378 = arith.constant 0 : i32
        %dma_start3A_379 = tpu.memref_slice %arg5[%dma_start3A_377, %dma_start3A_378] : memref<10240x32xf32, #tpu.memory_space<vmem_shared>> -> memref<10240x32xf32, #tpu.memory_space<vmem_shared>>
        tpu.enqueue_indirect_dma source(%dma_start3A_379 : memref<10240x32xf32, #tpu.memory_space<vmem_shared>>) target(%dma_start3A_372 : memref<64x32xf32, #tpu.memory_space<vmem>>) offsets(%dma_start3A_376 : memref<64xi32, #tpu.memory_space<vmem>>) semaphore(%arg10 : memref<!tpu.dma_semaphore, #tpu.memory_space<semaphore_mem>>)
        %add3A_380 = arith.constant 768 : i32
        %add3A_381 = arith.addi %multiple_of3A_208, %add3A_380 : i32
        %dma_start3A_382 = arith.constant 12 : i32
        %dma_start3A_383 = arith.constant 0 : i32
        %dma_start3A_384 = tpu.memref_slice %arg7[%add3A_381, %dma_start3A_383] : memref<2048x32xf32, #tpu.memory_space<vmem>> -> memref<64x32xf32, #tpu.memory_space<vmem>>
        %dma_start3A_385 = arith.constant 0 : i32
        %dma_start3A_386 = tpu.memref_slice %arg6[%dma_start3A_382, %dma_start3A_385] : memref<16x320xi32, #tpu.memory_space<vmem>> -> memref<1x320xi32, #tpu.memory_space<vmem>>
        %dma_start3A_387 = tpu.memref_squeeze %dma_start3A_386 : memref<1x320xi32, #tpu.memory_space<vmem>> -> memref<320xi32, #tpu.memory_space<vmem>>
        %dma_start3A_388 = tpu.memref_slice %dma_start3A_387[%multiple_of3A_235] : memref<320xi32, #tpu.memory_space<vmem>> -> memref<64xi32, #tpu.memory_space<vmem>>
        %dma_start3A_389 = arith.constant 0 : i32
        %dma_start3A_390 = arith.constant 0 : i32
        %dma_start3A_391 = tpu.memref_slice %arg5[%dma_start3A_389, %dma_start3A_390] : memref<10240x32xf32, #tpu.memory_space<vmem_shared>> -> memref<10240x32xf32, #tpu.memory_space<vmem_shared>>
        tpu.enqueue_indirect_dma source(%dma_start3A_391 : memref<10240x32xf32, #tpu.memory_space<vmem_shared>>) target(%dma_start3A_384 : memref<64x32xf32, #tpu.memory_space<vmem>>) offsets(%dma_start3A_388 : memref<64xi32, #tpu.memory_space<vmem>>) semaphore(%arg10 : memref<!tpu.dma_semaphore, #tpu.memory_space<semaphore_mem>>)
        %add3A_392 = arith.constant 832 : i32
        %add3A_393 = arith.addi %multiple_of3A_208, %add3A_392 : i32
        %dma_start3A_394 = arith.constant 13 : i32
        %dma_start3A_395 = arith.constant 0 : i32
        %dma_start3A_396 = tpu.memref_slice %arg7[%add3A_393, %dma_start3A_395] : memref<2048x32xf32, #tpu.memory_space<vmem>> -> memref<64x32xf32, #tpu.memory_space<vmem>>
        %dma_start3A_397 = arith.constant 0 : i32
        %dma_start3A_398 = tpu.memref_slice %arg6[%dma_start3A_394, %dma_start3A_397] : memref<16x320xi32, #tpu.memory_space<vmem>> -> memref<1x320xi32, #tpu.memory_space<vmem>>
        %dma_start3A_399 = tpu.memref_squeeze %dma_start3A_398 : memref<1x320xi32, #tpu.memory_space<vmem>> -> memref<320xi32, #tpu.memory_space<vmem>>
        %dma_start3A_400 = tpu.memref_slice %dma_start3A_399[%multiple_of3A_235] : memref<320xi32, #tpu.memory_space<vmem>> -> memref<64xi32, #tpu.memory_space<vmem>>
        %dma_start3A_401 = arith.constant 0 : i32
        %dma_start3A_402 = arith.constant 0 : i32
        %dma_start3A_403 = tpu.memref_slice %arg5[%dma_start3A_401, %dma_start3A_402] : memref<10240x32xf32, #tpu.memory_space<vmem_shared>> -> memref<10240x32xf32, #tpu.memory_space<vmem_shared>>
        tpu.enqueue_indirect_dma source(%dma_start3A_403 : memref<10240x32xf32, #tpu.memory_space<vmem_shared>>) target(%dma_start3A_396 : memref<64x32xf32, #tpu.memory_space<vmem>>) offsets(%dma_start3A_400 : memref<64xi32, #tpu.memory_space<vmem>>) semaphore(%arg10 : memref<!tpu.dma_semaphore, #tpu.memory_space<semaphore_mem>>)
        %add3A_404 = arith.constant 896 : i32
        %add3A_405 = arith.addi %multiple_of3A_208, %add3A_404 : i32
        %dma_start3A_406 = arith.constant 14 : i32
        %dma_start3A_407 = arith.constant 0 : i32
        %dma_start3A_408 = tpu.memref_slice %arg7[%add3A_405, %dma_start3A_407] : memref<2048x32xf32, #tpu.memory_space<vmem>> -> memref<64x32xf32, #tpu.memory_space<vmem>>
        %dma_start3A_409 = arith.constant 0 : i32
        %dma_start3A_410 = tpu.memref_slice %arg6[%dma_start3A_406, %dma_start3A_409] : memref<16x320xi32, #tpu.memory_space<vmem>> -> memref<1x320xi32, #tpu.memory_space<vmem>>
        %dma_start3A_411 = tpu.memref_squeeze %dma_start3A_410 : memref<1x320xi32, #tpu.memory_space<vmem>> -> memref<320xi32, #tpu.memory_space<vmem>>
        %dma_start3A_412 = tpu.memref_slice %dma_start3A_411[%multiple_of3A_235] : memref<320xi32, #tpu.memory_space<vmem>> -> memref<64xi32, #tpu.memory_space<vmem>>
        %dma_start3A_413 = arith.constant 0 : i32
        %dma_start3A_414 = arith.constant 0 : i32
        %dma_start3A_415 = tpu.memref_slice %arg5[%dma_start3A_413, %dma_start3A_414] : memref<10240x32xf32, #tpu.memory_space<vmem_shared>> -> memref<10240x32xf32, #tpu.memory_space<vmem_shared>>
        tpu.enqueue_indirect_dma source(%dma_start3A_415 : memref<10240x32xf32, #tpu.memory_space<vmem_shared>>) target(%dma_start3A_408 : memref<64x32xf32, #tpu.memory_space<vmem>>) offsets(%dma_start3A_412 : memref<64xi32, #tpu.memory_space<vmem>>) semaphore(%arg10 : memref<!tpu.dma_semaphore, #tpu.memory_space<semaphore_mem>>)
        %add3A_416 = arith.constant 960 : i32
        %add3A_417 = arith.addi %multiple_of3A_208, %add3A_416 : i32
        %dma_start3A_418 = arith.constant 15 : i32
        %dma_start3A_419 = arith.constant 0 : i32
        %dma_start3A_420 = tpu.memref_slice %arg7[%add3A_417, %dma_start3A_419] : memref<2048x32xf32, #tpu.memory_space<vmem>> -> memref<64x32xf32, #tpu.memory_space<vmem>>
        %dma_start3A_421 = arith.constant 0 : i32
        %dma_start3A_422 = tpu.memref_slice %arg6[%dma_start3A_418, %dma_start3A_421] : memref<16x320xi32, #tpu.memory_space<vmem>> -> memref<1x320xi32, #tpu.memory_space<vmem>>
        %dma_start3A_423 = tpu.memref_squeeze %dma_start3A_422 : memref<1x320xi32, #tpu.memory_space<vmem>> -> memref<320xi32, #tpu.memory_space<vmem>>
        %dma_start3A_424 = tpu.memref_slice %dma_start3A_423[%multiple_of3A_235] : memref<320xi32, #tpu.memory_space<vmem>> -> memref<64xi32, #tpu.memory_space<vmem>>
        %dma_start3A_425 = arith.constant 0 : i32
        %dma_start3A_426 = arith.constant 0 : i32
        %dma_start3A_427 = tpu.memref_slice %arg5[%dma_start3A_425, %dma_start3A_426] : memref<10240x32xf32, #tpu.memory_space<vmem_shared>> -> memref<10240x32xf32, #tpu.memory_space<vmem_shared>>
        tpu.enqueue_indirect_dma source(%dma_start3A_427 : memref<10240x32xf32, #tpu.memory_space<vmem_shared>>) target(%dma_start3A_420 : memref<64x32xf32, #tpu.memory_space<vmem>>) offsets(%dma_start3A_424 : memref<64xi32, #tpu.memory_space<vmem>>) semaphore(%arg10 : memref<!tpu.dma_semaphore, #tpu.memory_space<semaphore_mem>>)
      } else {
      }
      %scan3A_223 = arith.constant 0 : i32
      %scan3A_224 = arith.constant 0 : i32
      %scan3A_225 = arith.constant 64 : i32
      %scan3A_226 = arith.addi %scan3A_224, %scan3A_225 : i32
      %scan3A_227 = arith.constant 1 : i32
      %scan3A_228 = scf.for %scan3A_231 = %scan3A_224 to %scan3A_226 step %scan3A_227 iter_args(%scan3A_232 = %scan3A_223) -> (i32)  : i32 {
        %mul3A_233 = arith.constant 64 : i32
        %mul3A_234 = arith.muli %scan3A_196, %mul3A_233 : i32
        %add3A_235 = arith.addi %mul3A_234, %scan3A_231 : i32
        %get3A = arith.index_cast %add3A_235 : i32 to index
        %get3A_236 = arith.constant 0 : index
        %get3A_237 = tpu.vector_load %arg8[%get3A, %get3A_236] {strides = array<i32>} : memref<320x64xf32, #tpu.memory_space<vmem>>, vector<1x16xf32>,
        %get3A_238 = vector.shape_cast %get3A_237 : vector<1x16xf32> to vector<16xf32>
        %get3A_239 = arith.index_cast %add3A_235 : i32 to index
        %get3A_240 = arith.constant 16 : index
        %get3A_241 = tpu.vector_load %arg8[%get3A_239, %get3A_240] {strides = array<i32>} : memref<320x64xf32, #tpu.memory_space<vmem>>, vector<1x16xf32>,
        %get3A_242 = vector.shape_cast %get3A_241 : vector<1x16xf32> to vector<16xf32>
        %broadcast_in_dim3A = arith.constant 0.000000e+00 : f32
        %broadcast_in_dim3A_243 = vector.broadcast %broadcast_in_dim3A : f32 to vector<16xf32>
        %broadcast_in_dim3A_244 = arith.constant 0.000000e+00 : f32
        %broadcast_in_dim3A_245 = vector.broadcast %broadcast_in_dim3A_244 : f32 to vector<16xf32>
        %add3A_246 = arith.constant 0 : i32
        %add3A_247 = arith.addi %multiple_of3A_201, %add3A_246 : i32
        %add3A_248 = arith.addi %add3A_247, %scan3A_231 : i32
        %get3A_249 = arith.index_cast %add3A_248 : i32 to index
        %get3A_250 = arith.constant 0 : index
        %get3A_251 = tpu.vector_load %arg7[%get3A_249, %get3A_250] {strides = array<i32>} : memref<2048x32xf32, #tpu.memory_space<vmem>>, vector<1x16xf32>,
        %get3A_252 = vector.shape_cast %get3A_251 : vector<1x16xf32> to vector<16xf32>
        %add3A_253 = arith.constant 0 : i32
        %add3A_254 = arith.addi %multiple_of3A_201, %add3A_253 : i32
        %add3A_255 = arith.addi %add3A_254, %scan3A_231 : i32
        %get3A_256 = arith.index_cast %add3A_255 : i32 to index
        %get3A_257 = arith.constant 16 : index
        %get3A_258 = tpu.vector_load %arg7[%get3A_256, %get3A_257] {strides = array<i32>} : memref<2048x32xf32, #tpu.memory_space<vmem>>, vector<1x16xf32>,
        %get3A_259 = vector.shape_cast %get3A_258 : vector<1x16xf32> to vector<16xf32>
        %add3A_260 = arith.addf %get3A_238, %get3A_252 : vector<16xf32>
        %max3A = arith.constant 0.000000e+00 : f32
        %max3A_261 = vector.broadcast %max3A : f32 to vector<16xf32>
        %max3A_262 = arith.maximumf %add3A_260, %max3A_261 : vector<16xf32>
        %add3A_263 = arith.addf %broadcast_in_dim3A_243, %max3A_262 : vector<16xf32>
        %add3A_264 = arith.addf %get3A_242, %get3A_259 : vector<16xf32>
        %max3A_265 = arith.constant 0.000000e+00 : f32
        %max3A_266 = vector.broadcast %max3A_265 : f32 to vector<16xf32>
        %max3A_267 = arith.maximumf %add3A_264, %max3A_266 : vector<16xf32>
        %add3A_268 = arith.addf %broadcast_in_dim3A_245, %max3A_267 : vector<16xf32>
        %add3A_269 = arith.constant 64 : i32
        %add3A_270 = arith.addi %multiple_of3A_201, %add3A_269 : i32
        %add3A_271 = arith.addi %add3A_270, %scan3A_231 : i32
        %get3A_272 = arith.index_cast %add3A_271 : i32 to index
        %get3A_273 = arith.constant 0 : index
        %get3A_274 = tpu.vector_load %arg7[%get3A_272, %get3A_273] {strides = array<i32>} : memref<2048x32xf32, #tpu.memory_space<vmem>>, vector<1x16xf32>,
        %get3A_275 = vector.shape_cast %get3A_274 : vector<1x16xf32> to vector<16xf32>
        %add3A_276 = arith.constant 64 : i32
        %add3A_277 = arith.addi %multiple_of3A_201, %add3A_276 : i32
        %add3A_278 = arith.addi %add3A_277, %scan3A_231 : i32
        %get3A_279 = arith.index_cast %add3A_278 : i32 to index
        %get3A_280 = arith.constant 16 : index
        %get3A_281 = tpu.vector_load %arg7[%get3A_279, %get3A_280] {strides = array<i32>} : memref<2048x32xf32, #tpu.memory_space<vmem>>, vector<1x16xf32>,
        %get3A_282 = vector.shape_cast %get3A_281 : vector<1x16xf32> to vector<16xf32>
        %add3A_283 = arith.addf %get3A_238, %get3A_275 : vector<16xf32>
        %max3A_284 = arith.constant 0.000000e+00 : f32
        %max3A_285 = vector.broadcast %max3A_284 : f32 to vector<16xf32>
        %max3A_286 = arith.maximumf %add3A_283, %max3A_285 : vector<16xf32>
        %add3A_287 = arith.addf %add3A_263, %max3A_286 : vector<16xf32>
        %add3A_288 = arith.addf %get3A_242, %get3A_282 : vector<16xf32>
        %max3A_289 = arith.constant 0.000000e+00 : f32
        %max3A_290 = vector.broadcast %max3A_289 : f32 to vector<16xf32>
        %max3A_291 = arith.maximumf %add3A_288, %max3A_290 : vector<16xf32>
        %add3A_292 = arith.addf %add3A_268, %max3A_291 : vector<16xf32>
        %add3A_293 = arith.constant 128 : i32
        %add3A_294 = arith.addi %multiple_of3A_201, %add3A_293 : i32
        %add3A_295 = arith.addi %add3A_294, %scan3A_231 : i32
        %get3A_296 = arith.index_cast %add3A_295 : i32 to index
        %get3A_297 = arith.constant 0 : index
        %get3A_298 = tpu.vector_load %arg7[%get3A_296, %get3A_297] {strides = array<i32>} : memref<2048x32xf32, #tpu.memory_space<vmem>>, vector<1x16xf32>,
        %get3A_299 = vector.shape_cast %get3A_298 : vector<1x16xf32> to vector<16xf32>
        %add3A_300 = arith.constant 128 : i32
        %add3A_301 = arith.addi %multiple_of3A_201, %add3A_300 : i32
        %add3A_302 = arith.addi %add3A_301, %scan3A_231 : i32
        %get3A_303 = arith.index_cast %add3A_302 : i32 to index
        %get3A_304 = arith.constant 16 : index
        %get3A_305 = tpu.vector_load %arg7[%get3A_303, %get3A_304] {strides = array<i32>} : memref<2048x32xf32, #tpu.memory_space<vmem>>, vector<1x16xf32>,
        %get3A_306 = vector.shape_cast %get3A_305 : vector<1x16xf32> to vector<16xf32>
        %add3A_307 = arith.addf %get3A_238, %get3A_299 : vector<16xf32>
        %max3A_308 = arith.constant 0.000000e+00 : f32
        %max3A_309 = vector.broadcast %max3A_308 : f32 to vector<16xf32>
        %max3A_310 = arith.maximumf %add3A_307, %max3A_309 : vector<16xf32>
        %add3A_311 = arith.addf %add3A_287, %max3A_310 : vector<16xf32>
        %add3A_312 = arith.addf %get3A_242, %get3A_306 : vector<16xf32>
        %max3A_313 = arith.constant 0.000000e+00 : f32
        %max3A_314 = vector.broadcast %max3A_313 : f32 to vector<16xf32>
        %max3A_315 = arith.maximumf %add3A_312, %max3A_314 : vector<16xf32>
        %add3A_316 = arith.addf %add3A_292, %max3A_315 : vector<16xf32>
        %add3A_317 = arith.constant 192 : i32
        %add3A_318 = arith.addi %multiple_of3A_201, %add3A_317 : i32
        %add3A_319 = arith.addi %add3A_318, %scan3A_231 : i32
        %get3A_320 = arith.index_cast %add3A_319 : i32 to index
        %get3A_321 = arith.constant 0 : index
        %get3A_322 = tpu.vector_load %arg7[%get3A_320, %get3A_321] {strides = array<i32>} : memref<2048x32xf32, #tpu.memory_space<vmem>>, vector<1x16xf32>,
        %get3A_323 = vector.shape_cast %get3A_322 : vector<1x16xf32> to vector<16xf32>
        %add3A_324 = arith.constant 192 : i32
        %add3A_325 = arith.addi %multiple_of3A_201, %add3A_324 : i32
        %add3A_326 = arith.addi %add3A_325, %scan3A_231 : i32
        %get3A_327 = arith.index_cast %add3A_326 : i32 to index
        %get3A_328 = arith.constant 16 : index
        %get3A_329 = tpu.vector_load %arg7[%get3A_327, %get3A_328] {strides = array<i32>} : memref<2048x32xf32, #tpu.memory_space<vmem>>, vector<1x16xf32>,
        %get3A_330 = vector.shape_cast %get3A_329 : vector<1x16xf32> to vector<16xf32>
        %add3A_331 = arith.addf %get3A_238, %get3A_323 : vector<16xf32>
        %max3A_332 = arith.constant 0.000000e+00 : f32
        %max3A_333 = vector.broadcast %max3A_332 : f32 to vector<16xf32>
        %max3A_334 = arith.maximumf %add3A_331, %max3A_333 : vector<16xf32>
        %add3A_335 = arith.addf %add3A_311, %max3A_334 : vector<16xf32>
        %add3A_336 = arith.addf %get3A_242, %get3A_330 : vector<16xf32>
        %max3A_337 = arith.constant 0.000000e+00 : f32
        %max3A_338 = vector.broadcast %max3A_337 : f32 to vector<16xf32>
        %max3A_339 = arith.maximumf %add3A_336, %max3A_338 : vector<16xf32>
        %add3A_340 = arith.addf %add3A_316, %max3A_339 : vector<16xf32>
        %add3A_341 = arith.constant 256 : i32
        %add3A_342 = arith.addi %multiple_of3A_201, %add3A_341 : i32
        %add3A_343 = arith.addi %add3A_342, %scan3A_231 : i32
        %get3A_344 = arith.index_cast %add3A_343 : i32 to index
        %get3A_345 = arith.constant 0 : index
        %get3A_346 = tpu.vector_load %arg7[%get3A_344, %get3A_345] {strides = array<i32>} : memref<2048x32xf32, #tpu.memory_space<vmem>>, vector<1x16xf32>,
        %get3A_347 = vector.shape_cast %get3A_346 : vector<1x16xf32> to vector<16xf32>
        %add3A_348 = arith.constant 256 : i32
        %add3A_349 = arith.addi %multiple_of3A_201, %add3A_348 : i32
        %add3A_350 = arith.addi %add3A_349, %scan3A_231 : i32
        %get3A_351 = arith.index_cast %add3A_350 : i32 to index
        %get3A_352 = arith.constant 16 : index
        %get3A_353 = tpu.vector_load %arg7[%get3A_351, %get3A_352] {strides = array<i32>} : memref<2048x32xf32, #tpu.memory_space<vmem>>, vector<1x16xf32>,
        %get3A_354 = vector.shape_cast %get3A_353 : vector<1x16xf32> to vector<16xf32>
        %add3A_355 = arith.addf %get3A_238, %get3A_347 : vector<16xf32>
        %max3A_356 = arith.constant 0.000000e+00 : f32
        %max3A_357 = vector.broadcast %max3A_356 : f32 to vector<16xf32>
        %max3A_358 = arith.maximumf %add3A_355, %max3A_357 : vector<16xf32>
        %add3A_359 = arith.addf %add3A_335, %max3A_358 : vector<16xf32>
        %add3A_360 = arith.addf %get3A_242, %get3A_354 : vector<16xf32>
        %max3A_361 = arith.constant 0.000000e+00 : f32
        %max3A_362 = vector.broadcast %max3A_361 : f32 to vector<16xf32>
        %max3A_363 = arith.maximumf %add3A_360, %max3A_362 : vector<16xf32>
        %add3A_364 = arith.addf %add3A_340, %max3A_363 : vector<16xf32>
        %add3A_365 = arith.constant 320 : i32
        %add3A_366 = arith.addi %multiple_of3A_201, %add3A_365 : i32
        %add3A_367 = arith.addi %add3A_366, %scan3A_231 : i32
        %get3A_368 = arith.index_cast %add3A_367 : i32 to index
        %get3A_369 = arith.constant 0 : index
        %get3A_370 = tpu.vector_load %arg7[%get3A_368, %get3A_369] {strides = array<i32>} : memref<2048x32xf32, #tpu.memory_space<vmem>>, vector<1x16xf32>,
        %get3A_371 = vector.shape_cast %get3A_370 : vector<1x16xf32> to vector<16xf32>
        %add3A_372 = arith.constant 320 : i32
        %add3A_373 = arith.addi %multiple_of3A_201, %add3A_372 : i32
        %add3A_374 = arith.addi %add3A_373, %scan3A_231 : i32
        %get3A_375 = arith.index_cast %add3A_374 : i32 to index
        %get3A_376 = arith.constant 16 : index
        %get3A_377 = tpu.vector_load %arg7[%get3A_375, %get3A_376] {strides = array<i32>} : memref<2048x32xf32, #tpu.memory_space<vmem>>, vector<1x16xf32>,
        %get3A_378 = vector.shape_cast %get3A_377 : vector<1x16xf32> to vector<16xf32>
        %add3A_379 = arith.addf %get3A_238, %get3A_371 : vector<16xf32>
        %max3A_380 = arith.constant 0.000000e+00 : f32
        %max3A_381 = vector.broadcast %max3A_380 : f32 to vector<16xf32>
        %max3A_382 = arith.maximumf %add3A_379, %max3A_381 : vector<16xf32>
        %add3A_383 = arith.addf %add3A_359, %max3A_382 : vector<16xf32>
        %add3A_384 = arith.addf %get3A_242, %get3A_378 : vector<16xf32>
        %max3A_385 = arith.constant 0.000000e+00 : f32
        %max3A_386 = vector.broadcast %max3A_385 : f32 to vector<16xf32>
        %max3A_387 = arith.maximumf %add3A_384, %max3A_386 : vector<16xf32>
        %add3A_388 = arith.addf %add3A_364, %max3A_387 : vector<16xf32>
        %add3A_389 = arith.constant 384 : i32
        %add3A_390 = arith.addi %multiple_of3A_201, %add3A_389 : i32
        %add3A_391 = arith.addi %add3A_390, %scan3A_231 : i32
        %get3A_392 = arith.index_cast %add3A_391 : i32 to index
        %get3A_393 = arith.constant 0 : index
        %get3A_394 = tpu.vector_load %arg7[%get3A_392, %get3A_393] {strides = array<i32>} : memref<2048x32xf32, #tpu.memory_space<vmem>>, vector<1x16xf32>,
        %get3A_395 = vector.shape_cast %get3A_394 : vector<1x16xf32> to vector<16xf32>
        %add3A_396 = arith.constant 384 : i32
        %add3A_397 = arith.addi %multiple_of3A_201, %add3A_396 : i32
        %add3A_398 = arith.addi %add3A_397, %scan3A_231 : i32
        %get3A_399 = arith.index_cast %add3A_398 : i32 to index
        %get3A_400 = arith.constant 16 : index
        %get3A_401 = tpu.vector_load %arg7[%get3A_399, %get3A_400] {strides = array<i32>} : memref<2048x32xf32, #tpu.memory_space<vmem>>, vector<1x16xf32>,
        %get3A_402 = vector.shape_cast %get3A_401 : vector<1x16xf32> to vector<16xf32>
        %add3A_403 = arith.addf %get3A_238, %get3A_395 : vector<16xf32>
        %max3A_404 = arith.constant 0.000000e+00 : f32
        %max3A_405 = vector.broadcast %max3A_404 : f32 to vector<16xf32>
        %max3A_406 = arith.maximumf %add3A_403, %max3A_405 : vector<16xf32>
        %add3A_407 = arith.addf %add3A_383, %max3A_406 : vector<16xf32>
        %add3A_408 = arith.addf %get3A_242, %get3A_402 : vector<16xf32>
        %max3A_409 = arith.constant 0.000000e+00 : f32
        %max3A_410 = vector.broadcast %max3A_409 : f32 to vector<16xf32>
        %max3A_411 = arith.maximumf %add3A_408, %max3A_410 : vector<16xf32>
        %add3A_412 = arith.addf %add3A_388, %max3A_411 : vector<16xf32>
        %add3A_413 = arith.constant 448 : i32
        %add3A_414 = arith.addi %multiple_of3A_201, %add3A_413 : i32
        %add3A_415 = arith.addi %add3A_414, %scan3A_231 : i32
        %get3A_416 = arith.index_cast %add3A_415 : i32 to index
        %get3A_417 = arith.constant 0 : index
        %get3A_418 = tpu.vector_load %arg7[%get3A_416, %get3A_417] {strides = array<i32>} : memref<2048x32xf32, #tpu.memory_space<vmem>>, vector<1x16xf32>,
        %get3A_419 = vector.shape_cast %get3A_418 : vector<1x16xf32> to vector<16xf32>
        %add3A_420 = arith.constant 448 : i32
        %add3A_421 = arith.addi %multiple_of3A_201, %add3A_420 : i32
        %add3A_422 = arith.addi %add3A_421, %scan3A_231 : i32
        %get3A_423 = arith.index_cast %add3A_422 : i32 to index
        %get3A_424 = arith.constant 16 : index
        %get3A_425 = tpu.vector_load %arg7[%get3A_423, %get3A_424] {strides = array<i32>} : memref<2048x32xf32, #tpu.memory_space<vmem>>, vector<1x16xf32>,
        %get3A_426 = vector.shape_cast %get3A_425 : vector<1x16xf32> to vector<16xf32>
        %add3A_427 = arith.addf %get3A_238, %get3A_419 : vector<16xf32>
        %max3A_428 = arith.constant 0.000000e+00 : f32
        %max3A_429 = vector.broadcast %max3A_428 : f32 to vector<16xf32>
        %max3A_430 = arith.maximumf %add3A_427, %max3A_429 : vector<16xf32>
        %add3A_431 = arith.addf %add3A_407, %max3A_430 : vector<16xf32>
        %add3A_432 = arith.addf %get3A_242, %get3A_426 : vector<16xf32>
        %max3A_433 = arith.constant 0.000000e+00 : f32
        %max3A_434 = vector.broadcast %max3A_433 : f32 to vector<16xf32>
        %max3A_435 = arith.maximumf %add3A_432, %max3A_434 : vector<16xf32>
        %add3A_436 = arith.addf %add3A_412, %max3A_435 : vector<16xf32>
        %add3A_437 = arith.constant 512 : i32
        %add3A_438 = arith.addi %multiple_of3A_201, %add3A_437 : i32
        %add3A_439 = arith.addi %add3A_438, %scan3A_231 : i32
        %get3A_440 = arith.index_cast %add3A_439 : i32 to index
        %get3A_441 = arith.constant 0 : index
        %get3A_442 = tpu.vector_load %arg7[%get3A_440, %get3A_441] {strides = array<i32>} : memref<2048x32xf32, #tpu.memory_space<vmem>>, vector<1x16xf32>,
        %get3A_443 = vector.shape_cast %get3A_442 : vector<1x16xf32> to vector<16xf32>
        %add3A_444 = arith.constant 512 : i32
        %add3A_445 = arith.addi %multiple_of3A_201, %add3A_444 : i32
        %add3A_446 = arith.addi %add3A_445, %scan3A_231 : i32
        %get3A_447 = arith.index_cast %add3A_446 : i32 to index
        %get3A_448 = arith.constant 16 : index
        %get3A_449 = tpu.vector_load %arg7[%get3A_447, %get3A_448] {strides = array<i32>} : memref<2048x32xf32, #tpu.memory_space<vmem>>, vector<1x16xf32>,
        %get3A_450 = vector.shape_cast %get3A_449 : vector<1x16xf32> to vector<16xf32>
        %add3A_451 = arith.addf %get3A_238, %get3A_443 : vector<16xf32>
        %max3A_452 = arith.constant 0.000000e+00 : f32
        %max3A_453 = vector.broadcast %max3A_452 : f32 to vector<16xf32>
        %max3A_454 = arith.maximumf %add3A_451, %max3A_453 : vector<16xf32>
        %add3A_455 = arith.addf %add3A_431, %max3A_454 : vector<16xf32>
        %add3A_456 = arith.addf %get3A_242, %get3A_450 : vector<16xf32>
        %max3A_457 = arith.constant 0.000000e+00 : f32
        %max3A_458 = vector.broadcast %max3A_457 : f32 to vector<16xf32>
        %max3A_459 = arith.maximumf %add3A_456, %max3A_458 : vector<16xf32>
        %add3A_460 = arith.addf %add3A_436, %max3A_459 : vector<16xf32>
        %add3A_461 = arith.constant 576 : i32
        %add3A_462 = arith.addi %multiple_of3A_201, %add3A_461 : i32
        %add3A_463 = arith.addi %add3A_462, %scan3A_231 : i32
        %get3A_464 = arith.index_cast %add3A_463 : i32 to index
        %get3A_465 = arith.constant 0 : index
        %get3A_466 = tpu.vector_load %arg7[%get3A_464, %get3A_465] {strides = array<i32>} : memref<2048x32xf32, #tpu.memory_space<vmem>>, vector<1x16xf32>,
        %get3A_467 = vector.shape_cast %get3A_466 : vector<1x16xf32> to vector<16xf32>
        %add3A_468 = arith.constant 576 : i32
        %add3A_469 = arith.addi %multiple_of3A_201, %add3A_468 : i32
        %add3A_470 = arith.addi %add3A_469, %scan3A_231 : i32
        %get3A_471 = arith.index_cast %add3A_470 : i32 to index
        %get3A_472 = arith.constant 16 : index
        %get3A_473 = tpu.vector_load %arg7[%get3A_471, %get3A_472] {strides = array<i32>} : memref<2048x32xf32, #tpu.memory_space<vmem>>, vector<1x16xf32>,
        %get3A_474 = vector.shape_cast %get3A_473 : vector<1x16xf32> to vector<16xf32>
        %add3A_475 = arith.addf %get3A_238, %get3A_467 : vector<16xf32>
        %max3A_476 = arith.constant 0.000000e+00 : f32
        %max3A_477 = vector.broadcast %max3A_476 : f32 to vector<16xf32>
        %max3A_478 = arith.maximumf %add3A_475, %max3A_477 : vector<16xf32>
        %add3A_479 = arith.addf %add3A_455, %max3A_478 : vector<16xf32>
        %add3A_480 = arith.addf %get3A_242, %get3A_474 : vector<16xf32>
        %max3A_481 = arith.constant 0.000000e+00 : f32
        %max3A_482 = vector.broadcast %max3A_481 : f32 to vector<16xf32>
        %max3A_483 = arith.maximumf %add3A_480, %max3A_482 : vector<16xf32>
        %add3A_484 = arith.addf %add3A_460, %max3A_483 : vector<16xf32>
        %add3A_485 = arith.constant 640 : i32
        %add3A_486 = arith.addi %multiple_of3A_201, %add3A_485 : i32
        %add3A_487 = arith.addi %add3A_486, %scan3A_231 : i32
        %get3A_488 = arith.index_cast %add3A_487 : i32 to index
        %get3A_489 = arith.constant 0 : index
        %get3A_490 = tpu.vector_load %arg7[%get3A_488, %get3A_489] {strides = array<i32>} : memref<2048x32xf32, #tpu.memory_space<vmem>>, vector<1x16xf32>,
        %get3A_491 = vector.shape_cast %get3A_490 : vector<1x16xf32> to vector<16xf32>
        %add3A_492 = arith.constant 640 : i32
        %add3A_493 = arith.addi %multiple_of3A_201, %add3A_492 : i32
        %add3A_494 = arith.addi %add3A_493, %scan3A_231 : i32
        %get3A_495 = arith.index_cast %add3A_494 : i32 to index
        %get3A_496 = arith.constant 16 : index
        %get3A_497 = tpu.vector_load %arg7[%get3A_495, %get3A_496] {strides = array<i32>} : memref<2048x32xf32, #tpu.memory_space<vmem>>, vector<1x16xf32>,
        %get3A_498 = vector.shape_cast %get3A_497 : vector<1x16xf32> to vector<16xf32>
        %add3A_499 = arith.addf %get3A_238, %get3A_491 : vector<16xf32>
        %max3A_500 = arith.constant 0.000000e+00 : f32
        %max3A_501 = vector.broadcast %max3A_500 : f32 to vector<16xf32>
        %max3A_502 = arith.maximumf %add3A_499, %max3A_501 : vector<16xf32>
        %add3A_503 = arith.addf %add3A_479, %max3A_502 : vector<16xf32>
        %add3A_504 = arith.addf %get3A_242, %get3A_498 : vector<16xf32>
        %max3A_505 = arith.constant 0.000000e+00 : f32
        %max3A_506 = vector.broadcast %max3A_505 : f32 to vector<16xf32>
        %max3A_507 = arith.maximumf %add3A_504, %max3A_506 : vector<16xf32>
        %add3A_508 = arith.addf %add3A_484, %max3A_507 : vector<16xf32>
        %add3A_509 = arith.constant 704 : i32
        %add3A_510 = arith.addi %multiple_of3A_201, %add3A_509 : i32
        %add3A_511 = arith.addi %add3A_510, %scan3A_231 : i32
        %get3A_512 = arith.index_cast %add3A_511 : i32 to index
        %get3A_513 = arith.constant 0 : index
        %get3A_514 = tpu.vector_load %arg7[%get3A_512, %get3A_513] {strides = array<i32>} : memref<2048x32xf32, #tpu.memory_space<vmem>>, vector<1x16xf32>,
        %get3A_515 = vector.shape_cast %get3A_514 : vector<1x16xf32> to vector<16xf32>
        %add3A_516 = arith.constant 704 : i32
        %add3A_517 = arith.addi %multiple_of3A_201, %add3A_516 : i32
        %add3A_518 = arith.addi %add3A_517, %scan3A_231 : i32
        %get3A_519 = arith.index_cast %add3A_518 : i32 to index
        %get3A_520 = arith.constant 16 : index
        %get3A_521 = tpu.vector_load %arg7[%get3A_519, %get3A_520] {strides = array<i32>} : memref<2048x32xf32, #tpu.memory_space<vmem>>, vector<1x16xf32>,
        %get3A_522 = vector.shape_cast %get3A_521 : vector<1x16xf32> to vector<16xf32>
        %add3A_523 = arith.addf %get3A_238, %get3A_515 : vector<16xf32>
        %max3A_524 = arith.constant 0.000000e+00 : f32
        %max3A_525 = vector.broadcast %max3A_524 : f32 to vector<16xf32>
        %max3A_526 = arith.maximumf %add3A_523, %max3A_525 : vector<16xf32>
        %add3A_527 = arith.addf %add3A_503, %max3A_526 : vector<16xf32>
        %add3A_528 = arith.addf %get3A_242, %get3A_522 : vector<16xf32>
        %max3A_529 = arith.constant 0.000000e+00 : f32
        %max3A_530 = vector.broadcast %max3A_529 : f32 to vector<16xf32>
        %max3A_531 = arith.maximumf %add3A_528, %max3A_530 : vector<16xf32>
        %add3A_532 = arith.addf %add3A_508, %max3A_531 : vector<16xf32>
        %add3A_533 = arith.constant 768 : i32
        %add3A_534 = arith.addi %multiple_of3A_201, %add3A_533 : i32
        %add3A_535 = arith.addi %add3A_534, %scan3A_231 : i32
        %get3A_536 = arith.index_cast %add3A_535 : i32 to index
        %get3A_537 = arith.constant 0 : index
        %get3A_538 = tpu.vector_load %arg7[%get3A_536, %get3A_537] {strides = array<i32>} : memref<2048x32xf32, #tpu.memory_space<vmem>>, vector<1x16xf32>,
        %get3A_539 = vector.shape_cast %get3A_538 : vector<1x16xf32> to vector<16xf32>
        %add3A_540 = arith.constant 768 : i32
        %add3A_541 = arith.addi %multiple_of3A_201, %add3A_540 : i32
        %add3A_542 = arith.addi %add3A_541, %scan3A_231 : i32
        %get3A_543 = arith.index_cast %add3A_542 : i32 to index
        %get3A_544 = arith.constant 16 : index
        %get3A_545 = tpu.vector_load %arg7[%get3A_543, %get3A_544] {strides = array<i32>} : memref<2048x32xf32, #tpu.memory_space<vmem>>, vector<1x16xf32>,
        %get3A_546 = vector.shape_cast %get3A_545 : vector<1x16xf32> to vector<16xf32>
        %add3A_547 = arith.addf %get3A_238, %get3A_539 : vector<16xf32>
        %max3A_548 = arith.constant 0.000000e+00 : f32
        %max3A_549 = vector.broadcast %max3A_548 : f32 to vector<16xf32>
        %max3A_550 = arith.maximumf %add3A_547, %max3A_549 : vector<16xf32>
        %add3A_551 = arith.addf %add3A_527, %max3A_550 : vector<16xf32>
        %add3A_552 = arith.addf %get3A_242, %get3A_546 : vector<16xf32>
        %max3A_553 = arith.constant 0.000000e+00 : f32
        %max3A_554 = vector.broadcast %max3A_553 : f32 to vector<16xf32>
        %max3A_555 = arith.maximumf %add3A_552, %max3A_554 : vector<16xf32>
        %add3A_556 = arith.addf %add3A_532, %max3A_555 : vector<16xf32>
        %add3A_557 = arith.constant 832 : i32
        %add3A_558 = arith.addi %multiple_of3A_201, %add3A_557 : i32
        %add3A_559 = arith.addi %add3A_558, %scan3A_231 : i32
        %get3A_560 = arith.index_cast %add3A_559 : i32 to index
        %get3A_561 = arith.constant 0 : index
        %get3A_562 = tpu.vector_load %arg7[%get3A_560, %get3A_561] {strides = array<i32>} : memref<2048x32xf32, #tpu.memory_space<vmem>>, vector<1x16xf32>,
        %get3A_563 = vector.shape_cast %get3A_562 : vector<1x16xf32> to vector<16xf32>
        %add3A_564 = arith.constant 832 : i32
        %add3A_565 = arith.addi %multiple_of3A_201, %add3A_564 : i32
        %add3A_566 = arith.addi %add3A_565, %scan3A_231 : i32
        %get3A_567 = arith.index_cast %add3A_566 : i32 to index
        %get3A_568 = arith.constant 16 : index
        %get3A_569 = tpu.vector_load %arg7[%get3A_567, %get3A_568] {strides = array<i32>} : memref<2048x32xf32, #tpu.memory_space<vmem>>, vector<1x16xf32>,
        %get3A_570 = vector.shape_cast %get3A_569 : vector<1x16xf32> to vector<16xf32>
        %add3A_571 = arith.addf %get3A_238, %get3A_563 : vector<16xf32>
        %max3A_572 = arith.constant 0.000000e+00 : f32
        %max3A_573 = vector.broadcast %max3A_572 : f32 to vector<16xf32>
        %max3A_574 = arith.maximumf %add3A_571, %max3A_573 : vector<16xf32>
        %add3A_575 = arith.addf %add3A_551, %max3A_574 : vector<16xf32>
        %add3A_576 = arith.addf %get3A_242, %get3A_570 : vector<16xf32>
        %max3A_577 = arith.constant 0.000000e+00 : f32
        %max3A_578 = vector.broadcast %max3A_577 : f32 to vector<16xf32>
        %max3A_579 = arith.maximumf %add3A_576, %max3A_578 : vector<16xf32>
        %add3A_580 = arith.addf %add3A_556, %max3A_579 : vector<16xf32>
        %add3A_581 = arith.constant 896 : i32
        %add3A_582 = arith.addi %multiple_of3A_201, %add3A_581 : i32
        %add3A_583 = arith.addi %add3A_582, %scan3A_231 : i32
        %get3A_584 = arith.index_cast %add3A_583 : i32 to index
        %get3A_585 = arith.constant 0 : index
        %get3A_586 = tpu.vector_load %arg7[%get3A_584, %get3A_585] {strides = array<i32>} : memref<2048x32xf32, #tpu.memory_space<vmem>>, vector<1x16xf32>,
        %get3A_587 = vector.shape_cast %get3A_586 : vector<1x16xf32> to vector<16xf32>
        %add3A_588 = arith.constant 896 : i32
        %add3A_589 = arith.addi %multiple_of3A_201, %add3A_588 : i32
        %add3A_590 = arith.addi %add3A_589, %scan3A_231 : i32
        %get3A_591 = arith.index_cast %add3A_590 : i32 to index
        %get3A_592 = arith.constant 16 : index
        %get3A_593 = tpu.vector_load %arg7[%get3A_591, %get3A_592] {strides = array<i32>} : memref<2048x32xf32, #tpu.memory_space<vmem>>, vector<1x16xf32>,
        %get3A_594 = vector.shape_cast %get3A_593 : vector<1x16xf32> to vector<16xf32>
        %add3A_595 = arith.addf %get3A_238, %get3A_587 : vector<16xf32>
        %max3A_596 = arith.constant 0.000000e+00 : f32
        %max3A_597 = vector.broadcast %max3A_596 : f32 to vector<16xf32>
        %max3A_598 = arith.maximumf %add3A_595, %max3A_597 : vector<16xf32>
        %add3A_599 = arith.addf %add3A_575, %max3A_598 : vector<16xf32>
        %add3A_600 = arith.addf %get3A_242, %get3A_594 : vector<16xf32>
        %max3A_601 = arith.constant 0.000000e+00 : f32
        %max3A_602 = vector.broadcast %max3A_601 : f32 to vector<16xf32>
        %max3A_603 = arith.maximumf %add3A_600, %max3A_602 : vector<16xf32>
        %add3A_604 = arith.addf %add3A_580, %max3A_603 : vector<16xf32>
        %add3A_605 = arith.constant 960 : i32
        %add3A_606 = arith.addi %multiple_of3A_201, %add3A_605 : i32
        %add3A_607 = arith.addi %add3A_606, %scan3A_231 : i32
        %get3A_608 = arith.index_cast %add3A_607 : i32 to index
        %get3A_609 = arith.constant 0 : index
        %get3A_610 = tpu.vector_load %arg7[%get3A_608, %get3A_609] {strides = array<i32>} : memref<2048x32xf32, #tpu.memory_space<vmem>>, vector<1x16xf32>,
        %get3A_611 = vector.shape_cast %get3A_610 : vector<1x16xf32> to vector<16xf32>
        %add3A_612 = arith.constant 960 : i32
        %add3A_613 = arith.addi %multiple_of3A_201, %add3A_612 : i32
        %add3A_614 = arith.addi %add3A_613, %scan3A_231 : i32
        %get3A_615 = arith.index_cast %add3A_614 : i32 to index
        %get3A_616 = arith.constant 16 : index
        %get3A_617 = tpu.vector_load %arg7[%get3A_615, %get3A_616] {strides = array<i32>} : memref<2048x32xf32, #tpu.memory_space<vmem>>, vector<1x16xf32>,
        %get3A_618 = vector.shape_cast %get3A_617 : vector<1x16xf32> to vector<16xf32>
        %add3A_619 = arith.addf %get3A_238, %get3A_611 : vector<16xf32>
        %max3A_620 = arith.constant 0.000000e+00 : f32
        %max3A_621 = vector.broadcast %max3A_620 : f32 to vector<16xf32>
        %max3A_622 = arith.maximumf %add3A_619, %max3A_621 : vector<16xf32>
        %add3A_623 = arith.addf %add3A_599, %max3A_622 : vector<16xf32>
        %add3A_624 = arith.addf %get3A_242, %get3A_618 : vector<16xf32>
        %max3A_625 = arith.constant 0.000000e+00 : f32
        %max3A_626 = vector.broadcast %max3A_625 : f32 to vector<16xf32>
        %max3A_627 = arith.maximumf %add3A_624, %max3A_626 : vector<16xf32>
        %add3A_628 = arith.addf %add3A_604, %max3A_627 : vector<16xf32>
        %mul3A_629 = arith.constant 6.250000e-02 : f32
        %mul3A_630 = vector.broadcast %mul3A_629 : f32 to vector<16xf32>
        %mul3A_631 = arith.mulf %add3A_623, %mul3A_630 : vector<16xf32>
        %swap3A = arith.index_cast %add3A_235 : i32 to index
        %swap3A_632 = arith.constant 0 : index
        %swap3A_633 = tpu.vector_load %arg9[%swap3A, %swap3A_632] {strides = array<i32>} : memref<320x32xf32, #tpu.memory_space<vmem>>, vector<1x16xf32>,
        %swap3A_634 = vector.shape_cast %swap3A_633 : vector<1x16xf32> to vector<16xf32>
        %swap3A_635 = vector.shape_cast %mul3A_631 : vector<16xf32> to vector<1x16xf32>
        tpu.vector_store %arg9[%swap3A, %swap3A_632], %swap3A_635 {strides = array<i32>} : memref<320x32xf32, #tpu.memory_space<vmem>>, vector<1x16xf32>,
        %mul3A_636 = arith.constant 6.250000e-02 : f32
        %mul3A_637 = vector.broadcast %mul3A_636 : f32 to vector<16xf32>
        %mul3A_638 = arith.mulf %add3A_628, %mul3A_637 : vector<16xf32>
        %swap3A_639 = arith.index_cast %add3A_235 : i32 to index
        %swap3A_640 = arith.constant 16 : index
        %swap3A_641 = tpu.vector_load %arg9[%swap3A_639, %swap3A_640] {strides = array<i32>} : memref<320x32xf32, #tpu.memory_space<vmem>>, vector<1x16xf32>,
        %swap3A_642 = vector.shape_cast %swap3A_641 : vector<1x16xf32> to vector<16xf32>
        %swap3A_643 = vector.shape_cast %mul3A_638 : vector<16xf32> to vector<1x16xf32>
        tpu.vector_store %arg9[%swap3A_639, %swap3A_640], %swap3A_643 {strides = array<i32>} : memref<320x32xf32, #tpu.memory_space<vmem>>, vector<1x16xf32>,
        %scan3A_644 = arith.constant 0 : i32
        scf.yield %scan3A_644 : i32
      }
      %scan3A_229 = arith.constant 64 : i32
      %scan3A_230 = arith.constant 0 : i32
      scf.yield %scan3A_230 : i32
    }
    %scan3A_195 = arith.constant 5 : i32
    "tpu.region"() ({
      %run_scoped3A = tpu.sem_alloc : memref<!tpu.dma_semaphore, #tpu.memory_space<semaphore_mem>>
      %dma_start3A_196 = arith.constant 0 : i32
      %dma_start3A_197 = tpu.memref_slice %arg4[%multiple_of3A, %dma_start3A_196] : memref<10240x32xf32, #tpu.memory_space<hbm>> -> memref<320x32xf32, #tpu.memory_space<hbm>>
      %dma_start3A_198 = arith.constant 0 : i32
      %dma_start3A_199 = tpu.memref_slice %arg4[%multiple_of3A, %dma_start3A_198] : memref<10240x32xf32, #tpu.memory_space<hbm>> -> memref<320x32xf32, #tpu.memory_space<hbm>>
      tpu.enqueue_dma source(%arg9 : memref<320x32xf32, #tpu.memory_space<vmem>>) target(%dma_start3A_199 : memref<320x32xf32, #tpu.memory_space<hbm>>) target_semaphore(%run_scoped3A : memref<!tpu.dma_semaphore, #tpu.memory_space<semaphore_mem>>)
      %dma_wait3A_200 = arith.constant 0 : i32
      %dma_wait3A_201 = tpu.memref_slice %arg4[%multiple_of3A, %dma_wait3A_200] : memref<10240x32xf32, #tpu.memory_space<hbm>> -> memref<320x32xf32, #tpu.memory_space<hbm>>
      %dma_wait3A_202 = arith.constant 0 : i32
      %dma_wait3A_203 = tpu.memref_slice %arg4[%multiple_of3A, %dma_wait3A_202] : memref<10240x32xf32, #tpu.memory_space<hbm>> -> memref<320x32xf32, #tpu.memory_space<hbm>>
      tpu.wait_dma2 semaphore(%run_scoped3A : memref<!tpu.dma_semaphore, #tpu.memory_space<semaphore_mem>>) src(%arg9 : memref<320x32xf32, #tpu.memory_space<vmem>>) dst(%dma_wait3A_203 : memref<320x32xf32, #tpu.memory_space<hbm>>)
      tpu.yield
    }) : () -> ()
    return
  }
}

module attributes {stable_mosaic.version = 14 : i64} {
  func.func @_prep_body(%arg0: i32, %arg1: memref<5120x128xf32, #tpu.memory_space<vmem>>, %arg2: memref<32x256xf32, #tpu.memory_space<vmem>>, %arg3: memref<1x32xf32, #tpu.memory_space<vmem>>, %arg4: memref<5120x64xf32, #tpu.memory_space<vmem>>) attributes {dimension_semantics = [#tpu.dimension_semantics<arbitrary>], iteration_bounds = array<i64: 2>, scalar_prefetch = 0 : i64, scratch_operands = 0 : i64, tpu.core_type = #tpu.core_type<tc>, window_params = [{transform_indices = @transform_0, window_bounds = array<i64: 5120, 128>}, {pipeline_mode = #tpu.pipeline_mode<synchronous>, transform_indices = @transform_1, window_bounds = array<i64: 32, 256>}, {pipeline_mode = #tpu.pipeline_mode<synchronous>, transform_indices = @transform_2, window_bounds = array<i64: 1, 32>}, {transform_indices = @transform_3, window_bounds = array<i64: 5120, 64>}]} {
    %get3A = arith.constant 0 : index
    %get3A_0 = arith.constant 0 : index
    %get3A_1 = vector.load %arg1[%get3A, %get3A_0] : memref<5120x128xf32, #tpu.memory_space<vmem>>, vector<5120x128xf32>
    %get3A_2 = arith.constant 0 : index
    %get3A_3 = arith.constant 0 : index
    %get3A_4 = vector.load %arg2[%get3A_2, %get3A_3] : memref<32x256xf32, #tpu.memory_space<vmem>>, vector<32x256xf32>
    %slice3A = vector.extract_strided_slice %get3A_4 {offsets = [0, 0], sizes = [32, 128], strides = [1, 1]} : vector<32x256xf32> to vector<32x128xf32>
    %slice3A_5 = vector.extract_strided_slice %get3A_4 {offsets = [0, 128], sizes = [32, 128], strides = [1, 1]} : vector<32x256xf32> to vector<32x128xf32>
    %sub3A = arith.subf %slice3A, %slice3A_5 : vector<32x128xf32>
    %slice3A_6 = vector.extract_strided_slice %get3A_4 {offsets = [0, 128], sizes = [32, 128], strides = [1, 1]} : vector<32x256xf32> to vector<32x128xf32>
    %dot_general3A = arith.constant dense<0.000000e+00> : vector<5120x32xf32>
    %dot_general3A_7 = tpu.matmul %get3A_1, %sub3A, %dot_general3A {dimension_numbers = #tpu.dot_dimension_numbers<[1], [1], [0], [0], [0, 0, 1, 0], [], []>, transpose_lhs_hint = false} : vector<5120x128xf32>, vector<32x128xf32>, vector<5120x32xf32> -> vector<5120x32xf32>
    %get3A_8 = arith.constant 0 : index
    %get3A_9 = arith.constant 0 : index
    %get3A_10 = vector.load %arg3[%get3A_8, %get3A_9] : memref<1x32xf32, #tpu.memory_space<vmem>>, vector<1x32xf32>
    %add3A = vector.broadcast %get3A_10 : vector<1x32xf32> to vector<5120x32xf32>
    %add3A_11 = arith.addf %dot_general3A_7, %add3A : vector<5120x32xf32>
    %dot_general3A_12 = arith.constant dense<0.000000e+00> : vector<5120x32xf32>
    %dot_general3A_13 = tpu.matmul %get3A_1, %slice3A_6, %dot_general3A_12 {dimension_numbers = #tpu.dot_dimension_numbers<[1], [1], [0], [0], [0, 0, 1, 0], [], []>, transpose_lhs_hint = false} : vector<5120x128xf32>, vector<32x128xf32>, vector<5120x32xf32> -> vector<5120x32xf32>
    %concatenate3A = tpu.concatenate %add3A_11, %dot_general3A_13 in 1 : vector<5120x32xf32>, vector<5120x32xf32> -> vector<5120x64xf32>
    %swap3A = arith.constant 0 : index
    %swap3A_14 = arith.constant 0 : index
    %swap3A_15 = vector.load %arg4[%swap3A, %swap3A_14] : memref<5120x64xf32, #tpu.memory_space<vmem>>, vector<5120x64xf32>
    tpu.vector_store %arg4[%swap3A, %swap3A_14], %concatenate3A {strides = array<i32>} : memref<5120x64xf32, #tpu.memory_space<vmem>>, vector<5120x64xf32>,
    return
  }
  func.func @transform_0(%arg0: i32) -> (i32, i32) {
    %c0_i32 = arith.constant 0 : i32
    %c0_i32_0 = arith.constant 0 : i32
    return %arg0, %c0_i32 : i32, i32
  }
  func.func @transform_1(%arg0: i32) -> (i32, i32) {
    %c0_i32 = arith.constant 0 : i32
    %c0_i32_0 = arith.constant 0 : i32
    %c0_i32_1 = arith.constant 0 : i32
    return %c0_i32, %c0_i32_0 : i32, i32
  }
  func.func @transform_2(%arg0: i32) -> (i32, i32) {
    %c0_i32 = arith.constant 0 : i32
    %c0_i32_0 = arith.constant 0 : i32
    %c0_i32_1 = arith.constant 0 : i32
    return %c0_i32, %c0_i32_0 : i32, i32
  }
  func.func @transform_3(%arg0: i32) -> (i32, i32) {
    %c0_i32 = arith.constant 0 : i32
    %c0_i32_0 = arith.constant 0 : i32
    return %arg0, %c0_i32 : i32, i32
  }
}

module attributes {stable_mosaic.version = 14 : i64} {
  func.func @_fin_body(%arg0: i32, %arg1: memref<5120x128xf32, #tpu.memory_space<vmem>>, %arg2: memref<5120x32xf32, #tpu.memory_space<vmem>>, %arg3: memref<32x160xf32, #tpu.memory_space<vmem>>, %arg4: memref<32x1xf32, #tpu.memory_space<vmem>>, %arg5: memref<1x192x5120xf32, #tpu.memory_space<vmem>>) attributes {dimension_semantics = [#tpu.dimension_semantics<arbitrary>], iteration_bounds = array<i64: 2>, scalar_prefetch = 0 : i64, scratch_operands = 0 : i64, tpu.core_type = #tpu.core_type<tc>, window_params = [{transform_indices = @transform_0, window_bounds = array<i64: 5120, 128>}, {transform_indices = @transform_1, window_bounds = array<i64: 5120, 32>}, {pipeline_mode = #tpu.pipeline_mode<synchronous>, transform_indices = @transform_2, window_bounds = array<i64: 32, 160>}, {pipeline_mode = #tpu.pipeline_mode<synchronous>, transform_indices = @transform_3, window_bounds = array<i64: 32, 1>}, {transform_indices = @transform_4, window_bounds = array<i64: 1, 192, 5120>}]} {
    %get3A = arith.constant 0 : index
    %get3A_0 = arith.constant 0 : index
    %get3A_1 = vector.load %arg1[%get3A, %get3A_0] : memref<5120x128xf32, #tpu.memory_space<vmem>>, vector<5120x128xf32>
    %get3A_2 = arith.constant 0 : index
    %get3A_3 = arith.constant 0 : index
    %get3A_4 = vector.load %arg2[%get3A_2, %get3A_3] : memref<5120x32xf32, #tpu.memory_space<vmem>>, vector<5120x32xf32>
    %iota3A = tpu.iota {dimensions = array<i32: 0>} : vector<128x128xi32>
    %iota3A_5 = tpu.iota {dimensions = array<i32: 1>} : vector<128x128xi32>
    %eq3A = arith.cmpi eq, %iota3A, %iota3A_5 : vector<128x128xi32>
    %convert_element_type3A = arith.extui %eq3A : vector<128x128xi1> to vector<128x128xi32>
    %convert_element_type3A_6 = arith.sitofp %convert_element_type3A : vector<128x128xi32> to vector<128x128xf32>
    %dot_general3A = arith.constant dense<0.000000e+00> : vector<128x5120xf32>
    %dot_general3A_7 = tpu.matmul %convert_element_type3A_6, %get3A_1, %dot_general3A {dimension_numbers = #tpu.dot_dimension_numbers<[1], [1], [0], [0], [0, 0, 1, 0], [], []>, transpose_lhs_hint = false} : vector<128x128xf32>, vector<5120x128xf32>, vector<128x5120xf32> -> vector<128x5120xf32>
    %iota3A_8 = tpu.iota {dimensions = array<i32: 0>} : vector<32x32xi32>
    %iota3A_9 = tpu.iota {dimensions = array<i32: 1>} : vector<32x32xi32>
    %eq3A_10 = arith.cmpi eq, %iota3A_8, %iota3A_9 : vector<32x32xi32>
    %convert_element_type3A_11 = arith.extui %eq3A_10 : vector<32x32xi1> to vector<32x32xi32>
    %convert_element_type3A_12 = arith.sitofp %convert_element_type3A_11 : vector<32x32xi32> to vector<32x32xf32>
    %dot_general3A_13 = arith.constant dense<0.000000e+00> : vector<32x5120xf32>
    %dot_general3A_14 = tpu.matmul %convert_element_type3A_12, %get3A_4, %dot_general3A_13 {dimension_numbers = #tpu.dot_dimension_numbers<[1], [1], [0], [0], [0, 0, 1, 0], [], []>, transpose_lhs_hint = false} : vector<32x32xf32>, vector<5120x32xf32>, vector<32x5120xf32> -> vector<32x5120xf32>
    %get3A_15 = arith.constant 0 : index
    %get3A_16 = arith.constant 0 : index
    %get3A_17 = vector.load %arg3[%get3A_15, %get3A_16] : memref<32x160xf32, #tpu.memory_space<vmem>>, vector<32x128xf32>
    %dot_general3A_18 = arith.constant dense<0.000000e+00> : vector<32x5120xf32>
    %dot_general3A_19 = tpu.matmul %get3A_17, %get3A_1, %dot_general3A_18 {dimension_numbers = #tpu.dot_dimension_numbers<[1], [1], [0], [0], [0, 0, 1, 0], [], []>, transpose_lhs_hint = false} : vector<32x128xf32>, vector<5120x128xf32>, vector<32x5120xf32> -> vector<32x5120xf32>
    %get3A_20 = arith.constant 0 : index
    %get3A_21 = arith.constant 128 : index
    %get3A_22 = vector.load %arg3[%get3A_20, %get3A_21] : memref<32x160xf32, #tpu.memory_space<vmem>>, vector<32x32xf32>
    %dot_general3A_23 = arith.constant dense<0.000000e+00> : vector<32x5120xf32>
    %dot_general3A_24 = tpu.matmul %get3A_22, %get3A_4, %dot_general3A_23 {dimension_numbers = #tpu.dot_dimension_numbers<[1], [1], [0], [0], [0, 0, 1, 0], [], []>, transpose_lhs_hint = false} : vector<32x32xf32>, vector<5120x32xf32>, vector<32x5120xf32> -> vector<32x5120xf32>
    %add3A = arith.addf %dot_general3A_19, %dot_general3A_24 : vector<32x5120xf32>
    %get3A_25 = arith.constant 0 : index
    %get3A_26 = arith.constant 0 : index
    %get3A_27 = vector.load %arg4[%get3A_25, %get3A_26] : memref<32x1xf32, #tpu.memory_space<vmem>>, vector<32x1xf32>
    %add3A_28 = vector.broadcast %get3A_27 : vector<32x1xf32> to vector<32x5120xf32>
    %add3A_29 = arith.addf %add3A, %add3A_28 : vector<32x5120xf32>
    %concatenate3A = tpu.concatenate %dot_general3A_7, %dot_general3A_14, %add3A_29 in 0 : vector<128x5120xf32>, vector<32x5120xf32>, vector<32x5120xf32> -> vector<192x5120xf32>
    %swap3A = arith.constant 0 : index
    %swap3A_30 = arith.constant 0 : index
    %swap3A_31 = arith.constant 0 : index
    %swap3A_32 = vector.load %arg5[%swap3A, %swap3A_30, %swap3A_31] : memref<1x192x5120xf32, #tpu.memory_space<vmem>>, vector<1x192x5120xf32>
    %swap3A_33 = vector.shape_cast %swap3A_32 : vector<1x192x5120xf32> to vector<192x5120xf32>
    %swap3A_34 = vector.shape_cast %concatenate3A : vector<192x5120xf32> to vector<1x192x5120xf32>
    tpu.vector_store %arg5[%swap3A, %swap3A_30, %swap3A_31], %swap3A_34 {strides = array<i32>} : memref<1x192x5120xf32, #tpu.memory_space<vmem>>, vector<1x192x5120xf32>,
    return
  }
  func.func @transform_0(%arg0: i32) -> (i32, i32) {
    %c0_i32 = arith.constant 0 : i32
    %c0_i32_0 = arith.constant 0 : i32
    return %arg0, %c0_i32 : i32, i32
  }
  func.func @transform_1(%arg0: i32) -> (i32, i32) {
    %c0_i32 = arith.constant 0 : i32
    %c0_i32_0 = arith.constant 0 : i32
    return %arg0, %c0_i32 : i32, i32
  }
  func.func @transform_2(%arg0: i32) -> (i32, i32) {
    %c0_i32 = arith.constant 0 : i32
    %c0_i32_0 = arith.constant 0 : i32
    %c0_i32_1 = arith.constant 0 : i32
    return %c0_i32, %c0_i32_0 : i32, i32
  }
  func.func @transform_3(%arg0: i32) -> (i32, i32) {
    %c0_i32 = arith.constant 0 : i32
    %c0_i32_0 = arith.constant 0 : i32
    %c0_i32_1 = arith.constant 0 : i32
    return %c0_i32, %c0_i32_0 : i32, i32
  }
  func.func @transform_4(%arg0: i32) -> (i32, i32, i32) {
    %c0_i32 = arith.constant 0 : i32
    %c0_i32_0 = arith.constant 0 : i32
    %c0_i32_1 = arith.constant 0 : i32
    return %c0_i32, %c0_i32_0, %arg0 : i32, i32, i32
  }
}

</mosaic_0001>

<sc_bundles>
// kernel: kernel.5.cloned.1.call-start
scs
__scs_entry_jumppad:
0x0: {  	(pc) =	sbr.rel $0x88, $3  }
0x1: {  	(tag) =	ssettag $0x0;
	lr =	simm.s32 $0x1  }
0x2: {  	[smem:$0x3F9B] =	sst lr;
	_ =	strace $0xD0000000  }
0x3: {  	_ = 	snop  }
0x4: {  	_ = 	snop  }
0x5: {  	_ = 	snop  }
0x6: {  	_ = 	snop  }
0x7: {  	_ = 	snop  }
__scs_overlays_trampoline_lowered:
0x8: {  	[smem:$0x3FAA] =	sst s0  }
0x9: {  	[smem:$0x3FAB] =	sst s1  }
0xa: {  	[smem:$0x3FAC] =	sst s2  }
0xb: {  	[smem:$0x3FAD] =	sst s3  }
0xc: {  	[smem:$0x3FAE] =	sst s4  }
0xd: {  	[smem:$0x3FAF] =	sst s5  }
0xe: {  	[smem:$0x3FB0] =	sst s6  }
0xf: {  	[smem:$0x3FB1] =	sst s7  }
0x10: {  	[smem:$0x3FB2] =	sst s8  }
0x11: {  	[smem:$0x3FB3] =	sst s9;
	s0 =	simm.s32 @!p0 $0x0  }
0x12: {  	s1 =	sld [smem:$0x3F99];
	s0 =	simm.s32 @p0 $0x1  }
0x13: {  	[smem:$0x3FB4] =	sst s0;
	s0 =	simm.s32 @!p1 $0x0  }
0x14: {  	s2 =	sld [smem:$0x3F98];
	s0 =	simm.s32 @p1 $0x1  }
0x15: {  	[smem:$0x3FB5] =	sst s0;
	s0 =	simm.s32 @!p2 $0x0  }
0x16: {  	s3 =	sld [smem:$0x3FDB];
	s0 =	simm.s32 @p2 $0x1  }
0x17: {  	s4 =	simm.s32 $0x1BF5;
	[smem:$0x3FB7] =	sst s0  }
0x18: {  	s0 =	sld [smem:$0x3F9A];
	_ =	swait.ge [sflag:s4], $0x0  }
0x19: {  	s7 =	sld [smem:$0x3F9B]  }
0x1a: {  	s8 =	sadd.s32 $0xFFFFE003, lr  }
0x1b: {  	s9 =	sadd.s32 $0xFFFFFEF7, lr;
	s5 =	simm.s32 $0xFFFFFFFF;
	p2 =	slt.u32 s8, $0xFFFFF086  }
0x1c: {  	p1 =	slt.u32 s9, $0xF7A;
	s5 =	simm.s32 @!p2 $0x0  }
0x1d: {  	s5 =	simm.s32 @p1 $0x1;
	p0 =	seq.s32 s7, s2  }
0x1e: {  	s7 =	smul.u32 @!p0 $0xF7A, s2;
	p2 =	seq.s32 @!p0 s5, $0x0  }
0x1f: {  	s9 =	smul.u32 $0xF7A, s1;
	s8 =	simm.s32 @!p0 $0x1BF5;
	p2 =	por !p2, p0  }
0x20: {  	[sflag:s8] =	ssyncset.s32 @!p0 $0xFFFFF086;
	s6 =	sadd.s32 @!p0 s3, s7;
	s7 =	simm.s32 @!p0 $0x108  }
0x21: {  	s3 =	sadd.s32 s3, s9;
	s6 =	sadd.s32 @!p0 $0x88, s6;
	s7 =	simm.s32 @p2 $0x1082  }
0x22: {  	[simem:s7], [sflag:s8] =	dma.local @!p0 [hbm:s6], $0xF7A  }
0x23: {  	s9 =	sor.u32 $0xD0000000, s2;
	s6 =	simm.s32 $0x108;
	_ =	swait.ge @!p0 [sflag:s8], $0x0  }
0x24: {  	s3 =	sadd.s32 $0x88, s3;
	s6 =	simm.s32 @!p1 $0x1082;
	[sflag:s4] =	ssyncset.s32 $0xFFFFF086  }
0x25: {  	[simem:s6], [sflag:s4] =	dma.local [hbm:s3], $0xF7A  }
0x26: {  	[smem:$0x3F9B] =	sst s1;
	(tag) =	ssettag s2;
	_ =	strace s9  }
0x27: {  	s1 =	sld [smem:$0x3FAB]  }
0x28: {  	s2 =	sld [smem:$0x3FAC]  }
0x29: {  	s4 =	sld [smem:$0x3FAE]  }
0x2a: {  	p0 =	seq.s32 s5, $0x0;
	s5 =	sld [smem:$0x3FAF]  }
0x2b: {  	s6 =	sld [smem:$0x3FB0]  }
0x2c: {  	s7 =	sld [smem:$0x3FB1]  }
0x2d: {  	s3 =	simm.s32 $0x108;
	s8 =	sld [smem:$0x3FB2]  }
0x2e: {  	s3 =	simm.s32 @!p0 $0x1082;
	s9 =	sld [smem:$0x3FB3]  }
0x2f: {  	lr =	sadd.s32 s0, s3;
	s0 =	sld [smem:$0x3FAA]  }
0x30: {  	s3 =	sld [smem:$0x3FAD]  }
0x31: {  	[smem:$0x3FB6] =	sst s10  }
0x32: {  	s10 =	sld [smem:$0x3FB4];
	_ =	sdelay $0x3  }
0x33: {  	p0 =	seq.s32 s10, $0x1;
	s10 =	sld [smem:$0x3FB6];
	_ =	sdelay $0x3  }
0x34: {  	[smem:$0x3FB6] =	sst s10  }
0x35: {  	s10 =	sld [smem:$0x3FB5];
	_ =	sdelay $0x3  }
0x36: {  	p1 =	seq.s32 s10, $0x1;
	s10 =	sld [smem:$0x3FB6];
	_ =	sdelay $0x3  }
0x37: {  	[smem:$0x3FB6] =	sst s10  }
0x38: {  	s10 =	sld [smem:$0x3FB7]  }
0x39: {  	_ = 	snop;
	(pc) =	sbr.ind lr, $3  }
0x3a: {  	_ = 	snop  }
0x3b: {  	_ = 	snop  }
0x3c: {  	p2 =	seq.s32 s10, $0x1;
	s10 =	sld [smem:$0x3FB6]  }
0x3d: {  	_ =	shalt  }
0x3e: {  	_ =	shalt  }
0x3f: {  	_ =	shalt  }
0x40: {  	_ =	shalt  }
0x41: {  	_ =	shalt  }
0x42: {  	_ =	shalt  }
0x43: {  	_ =	shalt  }
0x44: {  	_ =	shalt  }
0x45: {  	_ =	shalt  }
0x46: {  	_ =	shalt  }
0x47: {  	_ =	shalt  }
0x48: {  	_ =	shalt  }
0x49: {  	_ =	shalt  }
0x4a: {  	_ =	shalt  }
0x4b: {  	_ =	shalt  }
0x4c: {  	_ =	shalt  }
0x4d: {  	_ =	shalt  }
0x4e: {  	_ =	shalt  }
0x4f: {  	_ =	shalt  }
0x50: {  	_ =	shalt  }
0x51: {  	_ =	shalt  }
0x52: {  	_ =	shalt  }
0x53: {  	_ =	shalt  }
0x54: {  	_ =	shalt  }
0x55: {  	_ =	shalt  }
0x56: {  	_ =	shalt  }
0x57: {  	_ =	shalt  }
0x58: {  	_ =	shalt  }
0x59: {  	_ =	shalt  }
0x5a: {  	_ =	shalt  }
0x5b: {  	_ =	shalt  }
0x5c: {  	_ =	shalt  }
0x5d: {  	_ =	shalt  }
0x5e: {  	_ =	shalt  }
0x5f: {  	_ =	shalt  }
0x60: {  	_ =	shalt  }
0x61: {  	_ =	shalt  }
0x62: {  	_ =	shalt  }
0x63: {  	_ =	shalt  }
0x64: {  	_ =	shalt  }
0x65: {  	_ =	shalt  }
0x66: {  	_ =	shalt  }
0x67: {  	_ =	shalt  }
0x68: {  	_ =	shalt  }
0x69: {  	_ =	shalt  }
0x6a: {  	_ =	shalt  }
0x6b: {  	_ =	shalt  }
0x6c: {  	_ =	shalt  }
0x6d: {  	_ =	shalt  }
0x6e: {  	_ =	shalt  }
0x6f: {  	_ =	shalt  }
0x70: {  	_ =	shalt  }
0x71: {  	_ =	shalt  }
0x72: {  	_ =	shalt  }
0x73: {  	_ =	shalt  }
0x74: {  	_ =	shalt  }
0x75: {  	_ =	shalt  }
0x76: {  	_ =	shalt  }
0x77: {  	_ =	shalt  }
0x78: {  	_ =	shalt  }
0x79: {  	_ =	shalt  }
0x7a: {  	_ =	shalt  }
0x7b: {  	_ =	shalt  }
0x7c: {  	_ =	shalt  }
0x7d: {  	_ =	shalt  }
0x7e: {  	_ =	shalt  }
0x7f: {  	_ =	shalt  }
0x80: {  	_ =	shalt  }
0x81: {  	_ =	shalt  }
0x82: {  	_ =	shalt  }
0x83: {  	_ =	shalt  }
0x84: {  	_ =	shalt  }
0x85: {  	_ =	shalt  }
0x86: {  	_ =	shalt  }
0x87: {  	_ =	shalt  }
.Lfunc_end0:
.L_simem_size_0:
called_computation_lowered:
.L_overlay_start_0:
0x88: {  	s2 =	sld [smem:$0x3FD9]  }
0x89: {  	s3 =	sld [smem:$0x3FFE];
	_ =	sdelay $0x1  }
0x8a: {  	s1 =	srdreg.scid  }
0x8b: {  	s0 =	sand.u32 $0x1, s1  }
0x8c: {  	s17 =	sshll.u32 s0, $0xA;
	s2 =	sadd.s32 s3, s2  }
0x8d: {  	s2 =	sadd.s32 s2, s17  }
0x8e: {  	[smem:$0x3FC2] =	sst s2  }
0x8f: {  	_ = 	snop  }
0x90: {  	s2 =	sld [smem:$0x3FD0];
	(tm) =	ssettm $0x1  }
0x91: {  	s18 =	sld [smem:$0x3FFB];
	_ =	sdelay $0x3  }
0x92: {  	_ =	strace s18  }
0x93: {  	s3 =	sld [smem:$0x3FFC];
	_ =	sdelay $0x3  }
0x94: {  	_ =	strace s3  }
0x95: {  	s3 =	sld [smem:$0x3FFD];
	_ =	sdelay $0x3  }
0x96: {  	_ =	strace s3  }
0x97: {  	_ =	strace $0x8FFFFFFF  }
0x98: {  	s19 =	sld [smem:$0x3FDB];
	_ =	sdelay $0x1  }
0x99: {  	s4 =	simm.s32 $_scs_section_size  }
0x9a: {  	s5 =	simm.s32 $_size__tile_overlayer_lowered;
	s6 =	simm.s32 $_tile_overlayer_lowered  }
0x9b: {  	s22 =	simm.s32 $0x1BFF;
	s21 =	sshll.u32 s6, $0x1;
	s3 =	sadd.s32 s4, s19  }
0x9c: {  	s7 =	simm.s32 $0x0;
	s20 =	sshll.u32 s5, $0x1;
	s5 =	sadd.s32 s21, s3  }
0x9d: {  	[timem:s7], [sflag:s22] =	dma.local [hbm:s5], s20  }
0x9e: {  	_ =	swait.ge [sflag:s22], s20  }
0x9f: {  	s4 =	ssub.s32 $0x0, s20;
	[sflag:s22] =	ssyncset.done $0x0  }
0xa0: {  	[sflag:s22] =	ssyncadd.s32 s4;
	_ =	sdelay $0x1  }
0xa1: {  	s23 =	simm.s32 $0x1B8B  }
0xa2: {  	_ =	swait.ge [sflag:s23], $0x1  }
0xa3: {  	[sflag:s23] =	ssyncset.done $0x0  }
0xa4: {  	s25 =	simm.s32 $0x1B8E;
	s24 =	sld [smem:$0x3FFE];
	[sflag:s23] =	ssyncadd.s32 $0xFFFFFFFF  }
0xa5: {  	s26 =	simm.s32 $execute0_lowered;
	[smem:$0x3FD2] =	sst s25  }
0xa6: {  	s5 =	sshll.u32 s26, $0x1;
	_ =	strace $0x80000046;
	[dreg:$0x1] =	wrdreg $0xFFFFFFFF  }
0xa7: {  	s28 =	simm.s32 $_size_execute0_lowered;
	s3 =	sadd.s32 s3, s5;
	[dreg:$0x0] =	wrdreg $0x0  }
0xa8: {  	s5 =	sshll.u32 s28, $0x1;
	[dreg:$0x2] =	wrdreg s3  }
0xa9: {  	[dreg:$0x3] =	wrdreg s5  }
0xaa: {  	[dreg:$0x4] =	wrdreg $0xC0  }
0xab: {  	_ =	task [dreg:s7], $0x5FFFF  }
0xac: {  	[dreg:$0x1] =	wrdreg $0xFFFFFFFF  }
0xad: {  	[dreg:$0x0] =	wrdreg $0x60  }
0xae: {  	[dreg:$0x2] =	wrdreg s2  }
0xaf: {  	[dreg:$0x3] =	wrdreg s24  }
0xb0: {  	[dreg:$0x4] =	wrdreg $0x0  }
0xb1: {  	[dreg:$0x5] =	wrdreg $0x9  }
0xb2: {  	_ =	task.clear_ibuf [dreg:s7], $0x6FFFF;
	_ =	strace $0x90000046  }
0xb3: {  	s29 =	simm.s32 $0x9;
	_ =	strace $0x80000048  }
0xb4: {  	_ =	swait.ge [sflag:s29], $0x1  }
0xb5: {  	[sflag:s29] =	ssyncadd.s32 $0xFFFFFFFF  }
0xb6: {  	_ =	strace $0x90000048  }
0xb7: {  	_ =	sfence  }
0xb8: {  	s30 =	sld [smem:$0x0];
	_ =	sdelay $0x2  }
0xb9: {  	s31 =	sshll.u32 s1, $0xD;
	s1 =	sshrl.u32 s1, $0x2  }
0xba: {  	s3 =	sand.u32 $0x4000, s31;
	s1 =	sadd.s32 s1, s30  }
0xbb: {  	s0 =	sor.u32 s3, s0;
	s1 =	sshll.u32 s1, $0x11  }
0xbc: {  	s0 =	sor.u32 s1, s0  }
0xbd: {  	s0 =	sadd.s32 $0x8F2B, s0  }
0xbe: {  	[sflag:s0] =	ssyncadd.remote.s32 $0x1  }
0xbf: {  	_ =	sfence.sel $0xFFFF  }
0xc0: {  	[dreg:$0x0] =	wrdreg $0xFFFFFFFF;
	(pc) =	sbr.abs _section_cstart, $3  }
0xc1: {  	[dreg:$0x1] =	wrdreg $0xFFFFFFFF  }
0xc2: {  	_ =	task.clear_ibuf [dreg:s7], $0x2FFFF;
	_ =	strace $0x9FFFFFFF  }
0xc3: {  	(tm) =	ssettm $0x7FFFFFFF  }
tec
execute0_lowered:
.L_overlay_start_1:
0x0: {  	(tag) =	ssettag $0x1  }
0x1: {  	s0 =	rddreg [dreg:$0x0]  }
0x2: {  	s1 =	srdreg.scid;
	s4 =	rddreg [dreg:$0x1]  }
0x3: {  	s12 =	stileid.u32;
	s2 =	rddreg [dreg:$0x2];
	s14 =	simm.s32 $0x3  }
0x4: {  	s18 =	simm.s32 $0x5000;
	s19 =	simm.s32 $0x40;
	s28 =	simm.s32 $0x6040  }
0x5: {  	s29 =	simm.s32 $0xCC00;
	s30 =	simm.s32 $0x6180;
	s31 =	simm.s32 $0xD400  }
0x6: {  	s13 =	simm.s32 $0x1B400;
	s15 =	simm.s32 $0x0;
	s8 =	smul.u32 $0x14000, s12  }
0x7: {  	s1 =	sand.u32 $0x1, s1;
	s3 =	sshll.u32 s12, $0x1;
	s10 =	smul.u32 $0x1400, s12  }
0x8: {  	s24 =	sshll.u32 s12, $0x6;
	s12 =	simm.s32 $0x2;
	s5 =	sor.u32 s1, s3  }
0x9: {  	s3 =	simm.s32 $0x0;
	s1 =	ssub.s32 $0x2, s1;
	s6 =	smul.u32 $0x28, s5  }
0xa: {  	[smem:$0x7FF] =	sst s3;
	s7 =	smul.u32 $0x500, s5;
	s21 =	sshrl.u32 s1, $0x1  }
0xb: {  	s22 =	sshrl.u32 s8, $0x2;
	s23 =	sadd.s32 s10, s0;
	s25 =	smul.u32 $0xA00, s5  }
0xc: {  	s5 =	sor.u32 $0x1C03, s24;
	_ =	strace $0x80000047;
	s1 =	ssub.s32 s1, s21  }
0xd: {  	s26 =	sadd.s32 s22, s2;
	s9 =	sadd.s32 s6, s4;
	s11 =	sadd.s32 s7, s4  }
0xe: {  	s4 =	sadd.s32 $0x4, s23;
	s6 =	sadd.s32 s0, s25;
	s10 =	sshrl.u32 s26, $0x3  }
0xf: {  	s0 =	simm.s32 $0xDC00;
	s7 =	sadd.s32 $0xE00, s9;
	s8 =	sadd.s32 $0x5E00, s11  }
0x10: {  	s9 =	smax.u32 s1, $0x1;
	s11 =	simm.s32 $0x1;
	s1 =	simm.s32 $0x62C0  }
.LBB2_1:
0x11: {  	s16 =	simm.s32 $0x4;
	s17 =	simm.s32 $0x8  }
0x12: {  	[spmem:s10@s16], [sflag:s5] =	dma.strided [hbm:s4@s17], $0xA00, s11, $0x4   }
0x13: {  	_ =	swait.ge [sflag:s14], $0xA00  }
0x14: {  	[sflag:s14] =	ssyncset.done $0x0  }
0x15: {  	s23 =	simm.s32 $0x16400;
	[sflag:s14] =	ssyncadd.s32 $0xFFFFF600  }
0x16: {  	[tilespmem:s23], [sflag:$0x2] =	stream.linear.gather [hbm4b:s6+s3], $0x5000, $0x38;
	[tilespmem:$0x1DC00] =	vst v63  }
0x17: {  	s24 =	simm.s32 $0x140;
	s25 =	simm.s32 $0x2800  }
0x18: {  	[tilespmem:s18], [sflag:$0x3] =	stream.strided.gather [hbm4b:s7+s24], $0x1400, s25, s24, $0x38;
	[tilespmem:$0x1DC00] =	vst v63  }
0x19: {  	_ =	swait.ge [sflag:s14], $0x1400  }
0x1a: {  	[sflag:s14] =	ssyncset.done $0x0  }
0x1b: {  	[sflag:s14] =	ssyncadd.s32 $0xFFFFEC00  }
0x1c: {  	s26 =	simm.s32 $0x6400;
	[bflag:$0x0] =	sbarrier.arrive $0xFFFF  }
0x1d: {  	[tilespmem:s26], [sflag:$0x1] =	stream.indirect.gather [spmem:s2], $0x20, s18, s19, $0xb8;
	[tilespmem:$0x1DC00] =	vst v63  }
0x1e: {  	s20 =	simm.s32 $0x6C00;
	s17 =	simm.s32 $0x5140  }
0x1f: {  	[tilespmem:s20], [sflag:$0x1] =	stream.indirect.gather [spmem:s2], $0x20, s17, s19, $0xb8;
	[tilespmem:$0x1DC00] =	vst v63  }
0x20: {  	s21 =	simm.s32 $0x5280;
	s22 =	simm.s32 $0x7400  }
0x21: {  	[tilespmem:s22], [sflag:$0x1] =	stream.indirect.gather [spmem:s2], $0x20, s21, s19, $0xb8;
	[tilespmem:$0x1DC00] =	vst v63  }
0x22: {  	s23 =	simm.s32 $0x53C0;
	s24 =	simm.s32 $0x7C00  }
0x23: {  	[tilespmem:s24], [sflag:$0x1] =	stream.indirect.gather [spmem:s2], $0x20, s23, s19, $0xb8;
	[tilespmem:$0x1DC00] =	vst v63  }
0x24: {  	s25 =	simm.s32 $0x5500;
	s26 =	simm.s32 $0x8400  }
0x25: {  	[tilespmem:s26], [sflag:$0x1] =	stream.indirect.gather [spmem:s2], $0x20, s25, s19, $0xb8;
	[tilespmem:$0x1DC00] =	vst v63  }
0x26: {  	s17 =	simm.s32 $0x5640;
	s20 =	simm.s32 $0x8C00  }
0x27: {  	[tilespmem:s20], [sflag:$0x1] =	stream.indirect.gather [spmem:s2], $0x20, s17, s19, $0xb8;
	[tilespmem:$0x1DC00] =	vst v63  }
0x28: {  	s21 =	simm.s32 $0x5780;
	s22 =	simm.s32 $0x9400  }
0x29: {  	[tilespmem:s22], [sflag:$0x1] =	stream.indirect.gather [spmem:s2], $0x20, s21, s19, $0xb8;
	[tilespmem:$0x1DC00] =	vst v63  }
0x2a: {  	s23 =	simm.s32 $0x58C0;
	s24 =	simm.s32 $0x9C00  }
0x2b: {  	[tilespmem:s24], [sflag:$0x1] =	stream.indirect.gather [spmem:s2], $0x20, s23, s19, $0xb8;
	[tilespmem:$0x1DC00] =	vst v63  }
0x2c: {  	s25 =	simm.s32 $0x5A00;
	s26 =	simm.s32 $0xA400  }
0x2d: {  	[tilespmem:s26], [sflag:$0x1] =	stream.indirect.gather [spmem:s2], $0x20, s25, s19, $0xb8;
	[tilespmem:$0x1DC00] =	vst v63  }
0x2e: {  	s17 =	simm.s32 $0x5B40;
	s20 =	simm.s32 $0xAC00  }
0x2f: {  	[tilespmem:s20], [sflag:$0x1] =	stream.indirect.gather [spmem:s2], $0x20, s17, s19, $0xb8;
	[tilespmem:$0x1DC00] =	vst v63  }
0x30: {  	s21 =	simm.s32 $0x5C80;
	s22 =	simm.s32 $0xB400  }
0x31: {  	[tilespmem:s22], [sflag:$0x1] =	stream.indirect.gather [spmem:s2], $0x20, s21, s19, $0xb8;
	[tilespmem:$0x1DC00] =	vst v63  }
0x32: {  	s23 =	simm.s32 $0x5DC0;
	s24 =	simm.s32 $0xBC00  }
0x33: {  	[tilespmem:s24], [sflag:$0x1] =	stream.indirect.gather [spmem:s2], $0x20, s23, s19, $0xb8;
	[tilespmem:$0x1DC00] =	vst v63  }
0x34: {  	s25 =	simm.s32 $0x5F00;
	s26 =	simm.s32 $0xC400  }
0x35: {  	[tilespmem:s26], [sflag:$0x1] =	stream.indirect.gather [spmem:s2], $0x20, s25, s19, $0xb8;
	[tilespmem:$0x1DC00] =	vst v63  }
0x36: {  	_ = 	snop  }
0x37: {  	[tilespmem:s29], [sflag:$0x1] =	stream.indirect.gather [spmem:s2], $0x20, s28, s19, $0xb8;
	[tilespmem:$0x1DC00] =	vst v63  }
0x38: {  	_ = 	snop  }
0x39: {  	[tilespmem:s31], [sflag:$0x1] =	stream.indirect.gather [spmem:s2], $0x20, s30, s19, $0xb8;
	[tilespmem:$0x1DC00] =	vst v63  }
0x3a: {  	_ = 	snop  }
0x3b: {  	[tilespmem:s0], [sflag:$0x1] =	stream.indirect.gather [spmem:s2], $0x20, s1, s19, $0xb8;
	[tilespmem:$0x1DC00] =	vst v63  }
0x3c: {  	_ =	swait.ge [sflag:s12], $0x5000  }
0x3d: {  	p0 =	por $0x0, $0x0;
	s17 =	simm.s32 $0x1B400;
	[sflag:s12] =	ssyncset.done $0x0  }
0x3e: {  	s20 =	simm.s32 $0x0;
	s22 =	simm.s32 $0x16410;
	[sflag:s12] =	ssyncadd.s32 $0xFFFFB000  }
.LBB2_3:
0x3f: {  	s16 =	smov.u32 s20  }
0x40: {  	s20 =	sadd.s32 $0x1, s20;
	_ =	swait.ge [sflag:s11], $0x8000;
	p1 =	seq.s32 s16, $0x4  }
0x41: {  	[sflag:s11] =	ssyncset.done $0x0;
	s16 =	sshll.u32 @!p1 s20, $0xF  }
0x42: {  	[sflag:s11] =	ssyncadd.s32 $0xFFFF8000;
	s21 =	sshll.u32 @!p1 s20, $0x6;
	s16 =	sand.u32 @!p1 $0x8000, s16  }
0x43: {  	s25 =	simm.s32 @!p1 $0x40;
	s24 =	sadd.s32 @!p1 $0x5000, s21;
	s23 =	sor.u32 @!p1 $0x6400, s16  }
0x44: {  	[tilespmem:s23], [sflag:$0x1] =	stream.indirect.gather @!p1 [spmem:s2], $0x20, s24, s25, $0xb8;
	[tilespmem:$0x1DC00] =	vst v63  }
0x45: {  	s23 =	sor.u32 @!p1 $0x6C00, s16;
	s24 =	sadd.s32 @!p1 $0x5140, s21  }
0x46: {  	[tilespmem:s23], [sflag:$0x1] =	stream.indirect.gather @!p1 [spmem:s2], $0x20, s24, s25, $0xb8;
	[tilespmem:$0x1DC00] =	vst v63  }
0x47: {  	s23 =	sor.u32 @!p1 $0x7400, s16;
	s24 =	sadd.s32 @!p1 $0x5280, s21  }
0x48: {  	[tilespmem:s23], [sflag:$0x1] =	stream.indirect.gather @!p1 [spmem:s2], $0x20, s24, s25, $0xb8;
	[tilespmem:$0x1DC00] =	vst v63  }
0x49: {  	s23 =	sor.u32 @!p1 $0x7C00, s16;
	s24 =	sadd.s32 @!p1 $0x53C0, s21  }
0x4a: {  	[tilespmem:s23], [sflag:$0x1] =	stream.indirect.gather @!p1 [spmem:s2], $0x20, s24, s25, $0xb8;
	[tilespmem:$0x1DC00] =	vst v63  }
0x4b: {  	s23 =	sadd.s32 @!p1 $0x8400, s16;
	s24 =	sadd.s32 @!p1 $0x5500, s21  }
0x4c: {  	[tilespmem:s23], [sflag:$0x1] =	stream.indirect.gather @!p1 [spmem:s2], $0x20, s24, s25, $0xb8;
	[tilespmem:$0x1DC00] =	vst v63  }
0x4d: {  	s23 =	sadd.s32 @!p1 $0x8C00, s16;
	s24 =	sadd.s32 @!p1 $0x5640, s21  }
0x4e: {  	[tilespmem:s23], [sflag:$0x1] =	stream.indirect.gather @!p1 [spmem:s2], $0x20, s24, s25, $0xb8;
	[tilespmem:$0x1DC00] =	vst v63  }
0x4f: {  	s23 =	sadd.s32 @!p1 $0x9400, s16;
	s24 =	sadd.s32 @!p1 $0x5780, s21  }
0x50: {  	[tilespmem:s23], [sflag:$0x1] =	stream.indirect.gather @!p1 [spmem:s2], $0x20, s24, s25, $0xb8;
	[tilespmem:$0x1DC00] =	vst v63  }
0x51: {  	s23 =	sadd.s32 @!p1 $0x9C00, s16;
	s24 =	sadd.s32 @!p1 $0x58C0, s21  }
0x52: {  	[tilespmem:s23], [sflag:$0x1] =	stream.indirect.gather @!p1 [spmem:s2], $0x20, s24, s25, $0xb8;
	[tilespmem:$0x1DC00] =	vst v63  }
0x53: {  	s23 =	sadd.s32 @!p1 $0xA400, s16;
	s24 =	sadd.s32 @!p1 $0x5A00, s21  }
0x54: {  	[tilespmem:s23], [sflag:$0x1] =	stream.indirect.gather @!p1 [spmem:s2], $0x20, s24, s25, $0xb8;
	[tilespmem:$0x1DC00] =	vst v63  }
0x55: {  	s23 =	sadd.s32 @!p1 $0xAC00, s16;
	s24 =	sadd.s32 @!p1 $0x5B40, s21  }
0x56: {  	[tilespmem:s23], [sflag:$0x1] =	stream.indirect.gather @!p1 [spmem:s2], $0x20, s24, s25, $0xb8;
	[tilespmem:$0x1DC00] =	vst v63  }
0x57: {  	s26 =	sadd.s32 @!p1 $0x5C80, s21;
	s23 =	simm.s32 $0x1;
	s24 =	sadd.s32 @!p1 $0xB400, s16  }
0x58: {  	[tilespmem:s24], [sflag:$0x1] =	stream.indirect.gather @!p1 [spmem:s2], $0x20, s26, s25, $0xb8;
	[tilespmem:$0x1DC00] =	vst v63  }
0x59: {  	s23 =	simm.s32 @!p0 $0x0;
	s24 =	sadd.s32 @!p1 $0xBC00, s16;
	s26 =	sadd.s32 @!p1 $0x5DC0, s21  }
0x5a: {  	[tilespmem:s24], [sflag:$0x1] =	stream.indirect.gather @!p1 [spmem:s2], $0x20, s26, s25, $0xb8;
	[tilespmem:$0x1DC00] =	vst v63  }
0x5b: {  	s23 =	sshll.u32 s23, $0xF;
	s24 =	sadd.s32 @!p1 $0xC400, s16;
	s26 =	sadd.s32 @!p1 $0x5F00, s21  }
0x5c: {  	[tilespmem:s24], [sflag:$0x1] =	stream.indirect.gather @!p1 [spmem:s2], $0x20, s26, s25, $0xb8;
	[tilespmem:$0x1DC00] =	vst v63  }
0x5d: {  	s23 =	sor.u32 $0x6400, s23;
	s24 =	sadd.s32 @!p1 $0xCC00, s16;
	s26 =	sadd.s32 @!p1 $0x6040, s21  }
0x5e: {  	[tilespmem:s24], [sflag:$0x1] =	stream.indirect.gather @!p1 [spmem:s2], $0x20, s26, s25, $0xb8;
	[tilespmem:$0x1DC00] =	vst v63  }
0x5f: {  	v1 =	vmov s23;
	s24 =	sadd.s32 @!p1 $0xD400, s16;
	s26 =	sadd.s32 @!p1 $0x6180, s21  }
0x60: {  	[tilespmem:s24], [sflag:$0x1] =	stream.indirect.gather @!p1 [spmem:s2], $0x20, s26, s25, $0xb8;
	[tilespmem:$0x1DC00] =	vst v63  }
0x61: {  	s16 =	sadd.s32 @!p1 $0xDC00, s16;
	s21 =	sadd.s32 @!p1 $0x62C0, s21  }
0x62: {  	[tilespmem:s16], [sflag:$0x1] =	stream.indirect.gather @!p1 [spmem:s2], $0x20, s21, s25, $0xb8;
	[tilespmem:$0x1DC00] =	vst v63  }
0x63: {  	s21 =	simm.s32 $0x0  }
0x64: {  	v4 =	vld.idx.msk [tilespmem:v1+s21+$0x800 ss:$0x1], $0xffff  }
0x65: {  	v6 =	vld.idx.msk [tilespmem:v1+s21+$0x0 ss:$0x1], $0xffff  }
0x66: {  	v0 =	vmov s17;
	s23 =	simm.s32 $0x80;
	s16 =	smov.u32 s22;
	v5 =	vld.idx.msk [tilespmem:v1+s21+$0x10 ss:$0x1], $0xffff  }
.LBB2_4:
0x67: {  	p1 =	seq.s32 s23, $0x1F80;
	v3 =	vld [tilespmem:s16+$0xFFFFFFF0]  }
0x68: {  	v2 =	vld [tilespmem:s16+$0x0]  }
0x69: {  	v7 =	vld.idx.msk [tilespmem:v1+s21+$0x810 ss:$0x1], $0xffff  }
0x6a: {  	v8 =	vld.idx.msk [tilespmem:v1+s21+$0x1000 ss:$0x1], $0xffff  }
0x6b: {  	v9 =	vld.idx.msk [tilespmem:v1+s21+$0x1010 ss:$0x1], $0xffff  }
0x6c: {  	v6 =	vadd.f32 v6, v3;
	v10 =	vld.idx.msk [tilespmem:v1+s21+$0x1800 ss:$0x1], $0xffff  }
0x6d: {  	v5 =	vadd.f32 v5, v2;
	v11 =	vld.idx.msk [tilespmem:v1+s21+$0x1810 ss:$0x1], $0xffff  }
0x6e: {  	v4 =	vadd.f32 v4, v3;
	v6 =	vmax.f32 v6, $0.0e+00;
	v12 =	vld.idx.msk [tilespmem:v1+s21+$0x2000 ss:$0x1], $0xffff  }
0x6f: {  	v7 =	vadd.f32 v7, v2;
	v6 =	vadd.f32 $0.0e+00, v6;
	v5 =	vmax.f32 v5, $0.0e+00;
	v13 =	vld.idx.msk [tilespmem:v1+s21+$0x2010 ss:$0x1], $0xffff  }
0x70: {  	v4 =	vmax.f32 v4, $0.0e+00;
	v8 =	vadd.f32 v8, v3;
	v5 =	vadd.f32 $0.0e+00, v5;
	v14 =	vld.idx.msk [tilespmem:v1+s21+$0x2800 ss:$0x1], $0xffff  }
0x71: {  	v4 =	vadd.f32 v4, v6;
	v6 =	vmax.f32 v7, $0.0e+00;
	v7 =	vadd.f32 v9, v2;
	v9 =	vld.idx.msk [tilespmem:v1+s21+$0x2810 ss:$0x1], $0xffff  }
0x72: {  	v5 =	vadd.f32 v6, v5;
	v6 =	vmax.f32 v8, $0.0e+00;
	v8 =	vadd.f32 v10, v3;
	v10 =	vld.idx.msk [tilespmem:v1+s21+$0x3000 ss:$0x1], $0xffff  }
0x73: {  	v4 =	vadd.f32 v6, v4;
	v6 =	vmax.f32 v7, $0.0e+00;
	v7 =	vadd.f32 v11, v2;
	v11 =	vld.idx.msk [tilespmem:v1+s21+$0x3010 ss:$0x1], $0xffff  }
0x74: {  	v5 =	vadd.f32 v6, v5;
	v6 =	vmax.f32 v8, $0.0e+00;
	v8 =	vadd.f32 v12, v3;
	v12 =	vld.idx.msk [tilespmem:v1+s21+$0x3800 ss:$0x1], $0xffff  }
0x75: {  	v4 =	vadd.f32 v6, v4;
	v6 =	vmax.f32 v7, $0.0e+00;
	v7 =	vadd.f32 v13, v2;
	v13 =	vld.idx.msk [tilespmem:v1+s21+$0x3810 ss:$0x1], $0xffff  }
0x76: {  	v5 =	vadd.f32 v6, v5;
	v6 =	vmax.f32 v8, $0.0e+00;
	v8 =	vadd.f32 v14, v3;
	v14 =	vld.idx.msk [tilespmem:v1+s21+$0x4000 ss:$0x1], $0xffff  }
0x77: {  	v4 =	vadd.f32 v6, v4;
	v6 =	vmax.f32 v7, $0.0e+00;
	v7 =	vadd.f32 v9, v2;
	v9 =	vld.idx.msk [tilespmem:v1+s21+$0x4010 ss:$0x1], $0xffff  }
0x78: {  	v5 =	vadd.f32 v6, v5;
	v6 =	vmax.f32 v8, $0.0e+00;
	v8 =	vadd.f32 v10, v3;
	v10 =	vld.idx.msk [tilespmem:v1+s21+$0x4800 ss:$0x1], $0xffff  }
0x79: {  	v4 =	vadd.f32 v6, v4;
	v6 =	vmax.f32 v7, $0.0e+00;
	v7 =	vadd.f32 v11, v2;
	v11 =	vld.idx.msk [tilespmem:v1+s21+$0x4810 ss:$0x1], $0xffff  }
0x7a: {  	v5 =	vadd.f32 v6, v5;
	v6 =	vmax.f32 v8, $0.0e+00;
	v8 =	vadd.f32 v12, v3;
	v12 =	vld.idx.msk [tilespmem:v1+s21+$0x5000 ss:$0x1], $0xffff  }
0x7b: {  	v4 =	vadd.f32 v6, v4;
	v6 =	vmax.f32 v7, $0.0e+00;
	v7 =	vadd.f32 v13, v2;
	v13 =	vld.idx.msk [tilespmem:v1+s21+$0x5010 ss:$0x1], $0xffff  }
0x7c: {  	v5 =	vadd.f32 v6, v5;
	v6 =	vmax.f32 v8, $0.0e+00;
	v8 =	vadd.f32 v14, v3;
	v14 =	vld.idx.msk [tilespmem:v1+s21+$0x5800 ss:$0x1], $0xffff  }
0x7d: {  	v4 =	vadd.f32 v6, v4;
	v6 =	vmax.f32 v7, $0.0e+00;
	v7 =	vadd.f32 v9, v2;
	v9 =	vld.idx.msk [tilespmem:v1+s21+$0x5810 ss:$0x1], $0xffff  }
0x7e: {  	v5 =	vadd.f32 v6, v5;
	v6 =	vmax.f32 v8, $0.0e+00;
	v8 =	vadd.f32 v10, v3;
	v10 =	vld.idx.msk [tilespmem:v1+s21+$0x6000 ss:$0x1], $0xffff  }
0x7f: {  	v4 =	vadd.f32 v6, v4;
	v6 =	vmax.f32 v7, $0.0e+00;
	v7 =	vadd.f32 v11, v2;
	v11 =	vld.idx.msk [tilespmem:v1+s21+$0x6010 ss:$0x1], $0xffff  }
0x80: {  	v5 =	vadd.f32 v6, v5;
	v6 =	vmax.f32 v8, $0.0e+00;
	v8 =	vadd.f32 v12, v3;
	v12 =	vld.idx.msk [tilespmem:v1+s21+$0x6800 ss:$0x1], $0xffff  }
0x81: {  	v4 =	vadd.f32 v6, v4;
	v6 =	vmax.f32 v7, $0.0e+00;
	v7 =	vadd.f32 v13, v2;
	v13 =	vld.idx.msk [tilespmem:v1+s21+$0x6810 ss:$0x1], $0xffff  }
0x82: {  	v5 =	vadd.f32 v6, v5;
	v6 =	vmax.f32 v8, $0.0e+00;
	v8 =	vadd.f32 v14, v3;
	v14 =	vld.idx.msk [tilespmem:v1+s21+$0x7000 ss:$0x1], $0xffff  }
0x83: {  	v4 =	vadd.f32 v6, v4;
	v6 =	vmax.f32 v7, $0.0e+00;
	v7 =	vadd.f32 v9, v2;
	v9 =	vld.idx.msk [tilespmem:v1+s21+$0x7010 ss:$0x1], $0xffff  }
0x84: {  	v5 =	vadd.f32 v6, v5;
	v6 =	vmax.f32 v8, $0.0e+00;
	v8 =	vadd.f32 v10, v3;
	v10 =	vld.idx.msk [tilespmem:v1+s21+$0x7800 ss:$0x1], $0xffff  }
0x85: {  	v4 =	vadd.f32 v6, v4;
	v6 =	vmax.f32 v7, $0.0e+00;
	v7 =	vadd.f32 v11, v2;
	v11 =	vld.idx.msk [tilespmem:v1+s21+$0x7810 ss:$0x1], $0xffff  }
0x86: {  	v5 =	vadd.f32 v6, v5;
	v6 =	vmax.f32 v8, $0.0e+00;
	v8 =	vadd.f32 v12, v3  }
0x87: {  	v4 =	vadd.f32 v6, v4;
	v6 =	vmax.f32 v7, $0.0e+00;
	v7 =	vadd.f32 v13, v2  }
0x88: {  	v5 =	vadd.f32 v6, v5;
	v6 =	vmax.f32 v8, $0.0e+00;
	v8 =	vadd.f32 v14, v3  }
0x89: {  	v4 =	vadd.f32 v6, v4;
	v6 =	vmax.f32 v7, $0.0e+00;
	v7 =	vadd.f32 v9, v2  }
0x8a: {  	v3 =	vadd.f32 v10, v3;
	v5 =	vadd.f32 v6, v5;
	v6 =	vmax.f32 v8, $0.0e+00  }
0x8b: {  	v2 =	vadd.f32 v11, v2;
	v4 =	vadd.f32 v6, v4;
	v6 =	vmax.f32 v7, $0.0e+00  }
0x8c: {  	v3 =	vmax.f32 v3, $0.0e+00;
	v5 =	vadd.f32 v6, v5  }
0x8d: {  	v2 =	vmax.f32 v2, $0.0e+00;
	v3 =	vadd.f32 v3, v4  }
0x8e: {  	v2 =	vadd.f32 v2, v5  }
0x8f: {  	v3 =	vmul.f32 $6.250000000e-02, v3  }
0x90: {  	v2 =	vmul.f32 $6.250000000e-02, v2  }
.Ltmp0:
0x91: {  	[tilespmem:v0+s21+$0x0 ss:$0x1] =	vst.idx.msk $0xffff, v3;
	(pc) =	sbr.rel @!p1 .LBB2_4-.Ltmp0, $4  }
0x92: {  	[tilespmem:v0+s21+$0x10 ss:$0x1] =	vst.idx.msk $0xffff, v2;
	s21 =	sshra.s32 s23, $0x2  }
0x93: {  	v4 =	vld.idx.msk [tilespmem:v1+s21+$0x800 ss:$0x1], $0xffff  }
0x94: {  	v6 =	vld.idx.msk [tilespmem:v1+s21+$0x0 ss:$0x1], $0xffff  }
0x95: {  	s16 =	sadd.s32 $0x40, s16;
	s23 =	sadd.s32 $0x80, s23;
	v5 =	vld.idx.msk [tilespmem:v1+s21+$0x10 ss:$0x1], $0xffff  }
0x96: {  	_ = 	snop  }
0x97: {  	v2 =	vld [tilespmem:s16+$0xFFFFFFF0]  }
0x98: {  	v3 =	vld [tilespmem:s16+$0x0];
	_ =	sdelay $0x1  }
0x99: {  	v7 =	vld.idx.msk [tilespmem:v1+s21+$0x810 ss:$0x1], $0xffff  }
0x9a: {  	v8 =	vld.idx.msk [tilespmem:v1+s21+$0x1000 ss:$0x1], $0xffff  }
0x9b: {  	v9 =	vld.idx.msk [tilespmem:v1+s21+$0x1010 ss:$0x1], $0xffff;
	v6 =	vadd.f32 v6, v2  }
0x9c: {  	v10 =	vld.idx.msk [tilespmem:v1+s21+$0x1800 ss:$0x1], $0xffff;
	v5 =	vadd.f32 v5, v3  }
0x9d: {  	v11 =	vld.idx.msk [tilespmem:v1+s21+$0x1810 ss:$0x1], $0xffff;
	v4 =	vadd.f32 v4, v2;
	v6 =	vmax.f32 v6, $0.0e+00  }
0x9e: {  	v12 =	vld.idx.msk [tilespmem:v1+s21+$0x2000 ss:$0x1], $0xffff;
	v7 =	vadd.f32 v7, v3;
	v5 =	vmax.f32 v5, $0.0e+00;
	v6 =	vadd.f32 $0.0e+00, v6  }
0x9f: {  	v13 =	vld.idx.msk [tilespmem:v1+s21+$0x2010 ss:$0x1], $0xffff;
	v8 =	vadd.f32 v8, v2;
	v4 =	vmax.f32 v4, $0.0e+00;
	v5 =	vadd.f32 $0.0e+00, v5  }
0xa0: {  	v14 =	vld.idx.msk [tilespmem:v1+s21+$0x2800 ss:$0x1], $0xffff;
	v39 =	vadd.f32 v9, v3;
	v38 =	vmax.f32 v7, $0.0e+00;
	v4 =	vadd.f32 v4, v6  }
0xa1: {  	v40 =	vld.idx.msk [tilespmem:v1+s21+$0x2810 ss:$0x1], $0xffff;
	v42 =	vadd.f32 v10, v2;
	v41 =	vmax.f32 v8, $0.0e+00;
	v5 =	vadd.f32 v38, v5  }
0xa2: {  	v43 =	vld.idx.msk [tilespmem:v1+s21+$0x3000 ss:$0x1], $0xffff;
	v45 =	vadd.f32 v11, v3;
	v44 =	vmax.f32 v39, $0.0e+00;
	v4 =	vadd.f32 v41, v4  }
0xa3: {  	v46 =	vld.idx.msk [tilespmem:v1+s21+$0x3010 ss:$0x1], $0xffff;
	v48 =	vadd.f32 v12, v2;
	v47 =	vmax.f32 v42, $0.0e+00;
	v5 =	vadd.f32 v44, v5  }
0xa4: {  	v49 =	vld.idx.msk [tilespmem:v1+s21+$0x3800 ss:$0x1], $0xffff;
	v51 =	vadd.f32 v13, v3;
	v50 =	vmax.f32 v45, $0.0e+00;
	v4 =	vadd.f32 v47, v4  }
0xa5: {  	v52 =	vld.idx.msk [tilespmem:v1+s21+$0x3810 ss:$0x1], $0xffff;
	v54 =	vadd.f32 v14, v2;
	v53 =	vmax.f32 v48, $0.0e+00;
	v5 =	vadd.f32 v50, v5  }
0xa6: {  	v55 =	vld.idx.msk [tilespmem:v1+s21+$0x4000 ss:$0x1], $0xffff;
	v57 =	vadd.f32 v40, v3;
	v56 =	vmax.f32 v51, $0.0e+00;
	v4 =	vadd.f32 v53, v4  }
0xa7: {  	v58 =	vld.idx.msk [tilespmem:v1+s21+$0x4010 ss:$0x1], $0xffff;
	v60 =	vadd.f32 v43, v2;
	v59 =	vmax.f32 v54, $0.0e+00;
	v5 =	vadd.f32 v56, v5  }
0xa8: {  	v61 =	vld.idx.msk [tilespmem:v1+s21+$0x4800 ss:$0x1], $0xffff;
	v63 =	vadd.f32 v46, v3;
	v62 =	vmax.f32 v57, $0.0e+00;
	v4 =	vadd.f32 v59, v4  }
0xa9: {  	v16 =	vld.idx.msk [tilespmem:v1+s21+$0x4810 ss:$0x1], $0xffff;
	v18 =	vadd.f32 v49, v2;
	v17 =	vmax.f32 v60, $0.0e+00;
	v5 =	vadd.f32 v62, v5  }
0xaa: {  	v19 =	vld.idx.msk [tilespmem:v1+s21+$0x5000 ss:$0x1], $0xffff;
	v21 =	vadd.f32 v52, v3;
	v20 =	vmax.f32 v63, $0.0e+00;
	v4 =	vadd.f32 v17, v4  }
0xab: {  	v22 =	vld.idx.msk [tilespmem:v1+s21+$0x5010 ss:$0x1], $0xffff;
	v24 =	vadd.f32 v55, v2;
	v23 =	vmax.f32 v18, $0.0e+00;
	v5 =	vadd.f32 v20, v5  }
0xac: {  	v25 =	vld.idx.msk [tilespmem:v1+s21+$0x5800 ss:$0x1], $0xffff;
	v27 =	vadd.f32 v58, v3;
	v26 =	vmax.f32 v21, $0.0e+00;
	v4 =	vadd.f32 v23, v4  }
0xad: {  	v28 =	vld.idx.msk [tilespmem:v1+s21+$0x5810 ss:$0x1], $0xffff;
	v30 =	vadd.f32 v61, v2;
	v29 =	vmax.f32 v24, $0.0e+00;
	v5 =	vadd.f32 v26, v5  }
0xae: {  	v31 =	vld.idx.msk [tilespmem:v1+s21+$0x6000 ss:$0x1], $0xffff;
	v33 =	vadd.f32 v16, v3;
	v32 =	vmax.f32 v27, $0.0e+00;
	v4 =	vadd.f32 v29, v4  }
0xaf: {  	v34 =	vld.idx.msk [tilespmem:v1+s21+$0x6010 ss:$0x1], $0xffff;
	v36 =	vadd.f32 v19, v2;
	v35 =	vmax.f32 v30, $0.0e+00;
	v5 =	vadd.f32 v32, v5  }
0xb0: {  	v37 =	vld.idx.msk [tilespmem:v1+s21+$0x6800 ss:$0x1], $0xffff;
	v39 =	vadd.f32 v22, v3;
	v38 =	vmax.f32 v33, $0.0e+00;
	v4 =	vadd.f32 v35, v4  }
0xb1: {  	v40 =	vld.idx.msk [tilespmem:v1+s21+$0x6810 ss:$0x1], $0xffff;
	v42 =	vadd.f32 v25, v2;
	v41 =	vmax.f32 v36, $0.0e+00;
	v5 =	vadd.f32 v38, v5  }
0xb2: {  	v43 =	vld.idx.msk [tilespmem:v1+s21+$0x7000 ss:$0x1], $0xffff;
	v45 =	vadd.f32 v28, v3;
	v44 =	vmax.f32 v39, $0.0e+00;
	v4 =	vadd.f32 v41, v4  }
0xb3: {  	v46 =	vld.idx.msk [tilespmem:v1+s21+$0x7010 ss:$0x1], $0xffff;
	v48 =	vadd.f32 v31, v2;
	v47 =	vmax.f32 v42, $0.0e+00;
	v5 =	vadd.f32 v44, v5  }
0xb4: {  	v49 =	vld.idx.msk [tilespmem:v1+s21+$0x7800 ss:$0x1], $0xffff;
	v51 =	vadd.f32 v34, v3;
	v50 =	vmax.f32 v45, $0.0e+00;
	v4 =	vadd.f32 v47, v4  }
0xb5: {  	v52 =	vld.idx.msk [tilespmem:v1+s21+$0x7810 ss:$0x1], $0xffff;
	v54 =	vadd.f32 v37, v2;
	v53 =	vmax.f32 v48, $0.0e+00;
	v5 =	vadd.f32 v50, v5  }
0xb6: {  	v55 =	vmax.f32 v51, $0.0e+00;
	v56 =	vadd.f32 v40, v3;
	v4 =	vadd.f32 v53, v4  }
0xb7: {  	v57 =	vmax.f32 v54, $0.0e+00;
	v58 =	vadd.f32 v43, v2;
	v5 =	vadd.f32 v55, v5  }
0xb8: {  	v60 =	vadd.f32 v46, v3;
	v59 =	vmax.f32 v56, $0.0e+00;
	v4 =	vadd.f32 v57, v4  }
0xb9: {  	v2 =	vadd.f32 v49, v2;
	v61 =	vmax.f32 v58, $0.0e+00;
	v5 =	vadd.f32 v59, v5  }
0xba: {  	v1 =	vadd.f32 v52, v3;
	v62 =	vmax.f32 v60, $0.0e+00;
	v4 =	vadd.f32 v61, v4  }
0xbb: {  	v2 =	vmax.f32 v2, $0.0e+00;
	v63 =	vadd.f32 v62, v5  }
0xbc: {  	v1 =	vmax.f32 v1, $0.0e+00;
	v2 =	vadd.f32 v2, v4  }
0xbd: {  	v1 =	vadd.f32 v1, v63  }
0xbe: {  	v2 =	vmul.f32 $6.250000000e-02, v2  }
0xbf: {  	v1 =	vmul.f32 $6.250000000e-02, v1  }
0xc0: {  	[tilespmem:v0+s21+$0x0 ss:$0x1] =	vst.idx.msk $0xffff, v2  }
0xc1: {  	[tilespmem:v0+s21+$0x10 ss:$0x1] =	vst.idx.msk $0xffff, v1  }
0xc2: {  	p1 =	seq.s32 s20, $0x5  }
.Ltmp1:
0xc3: {  	_ = 	snop;
	(pc) =	sbr.rel @!p1 .LBB2_3-.Ltmp1, $2  }
0xc4: {  	_ =	sdelay $0x2  }
0xc5: {  	s17 =	sadd.s32 $0x800, s17;
	s22 =	sadd.s32 $0x1000, s22;
	p0 =	por !p0, !p0  }
0xc6: {  	s15 =	sadd.s32 $0x1, s15  }
0xc7: {  	p0 =	sne.s32 s15, s9  }
.Ltmp2:
0xc8: {  	_ = 	snop;
	(pc) =	sbr.rel @p0 .LBB2_1-.Ltmp2, $4  }
0xc9: {  	[hbm4b:s8+s3] =	stream.linear.scatter [tilespmem:s13], [sflag:$0x3], $0x2800, $0x38;
	[tilespmem:$0x1DC00] =	vst v63  }
0xca: {  	_ =	swait.ge [sflag:s14], $0x2800  }
0xcb: {  	[sflag:s14] =	ssyncset.done $0x0  }
0xcc: {  	[sflag:s14] =	ssyncadd.s32 $0xFFFFD800  }
0xcd: {  	_ =	sfence.sel $0x180000  }
0xce: {  	[bflag:$0x0] =	sbarrier.arrive $0xFFFF  }
0xcf: {  	_ =	strace $0x90000047  }
0xd0: {  	s0 =	stileid.u32;
	[bflag:$0x2] =	sbarrier.arrive $0xFFFF  }
0xd1: {  	p0 =	sne.s32 s0, $0x0;
	s0 =	rddreg [dreg:$0x3]  }
0xd2: {  	s0 =	sadd.s32 @!p0 $0x100000, s0  }
0xd3: {  	[sflag:s0] =	ssyncadd.tile.s32 @!p0 $0x1;
	_ =	shalt  }
.Lfunc_end2:
_tile_overlayer_lowered:
.L_overlay_start_2:
0xd4: {  	(tag) =	ssettag $0x2  }
0xd5: {  	s0 =	rddreg [dreg:$0x0];
	s2 =	stileid.u32  }
0xd6: {  	s1 =	rddreg [dreg:$0x1];
	p0 =	sne.s32 s2, $0x0  }
0xd7: {  	s3 =	rddreg [dreg:$0x2];
	[bflag:$0x3] =	sbarrier.arrive $0xFFFF;
	s2 =	simm.s32 @!p0 $0x1C03  }
0xd8: {  	[timem:s3], [sflag:s2] =	dma.local @!p0 [hbm:s0], s1  }
0xd9: {  	s0 =	simm.s32 @!p0 $0x3  }
0xda: {  	_ =	swait.ge @!p0 [sflag:s0], s1  }
0xdb: {  	s1 =	ssub.s32 @!p0 $0x0, s1;
	[sflag:s0] =	ssyncset.done @!p0 $0x0  }
0xdc: {  	[sflag:s0] =	ssyncadd.s32 @!p0 s1  }
0xdd: {  	[bflag:$0x3] =	sbarrier.arrive $0xFFFF  }
0xde: {  	_ =	shalt  }

</sc_bundles>
